<compile_context>
chip_gen: v7x
topology: tpu7x:2x2x1
jax: 0.10.2.dev20260603
libtpu: 0.0.44.dev20260713+nightly
codegen_flags: <defaults>
</compile_context>

<pallas_src>
import functools

import jax
import jax.numpy as jnp
from jax import lax
from jax.experimental import pallas as pl
from jax.experimental.pallas import tpu as pltpu
from jax.experimental.pallas import tpu_sc as plsc

D = 1024
FF = 1024
E = 64
N = 4096
TILE = 128
ALIGN = 8
NPAD = N + E * (ALIGN - 1) + TILE

_NC = 2
_NS = 16
_NW = _NC * _NS
_CHUNK = 64
_ROWS_PER_W = N // _NW


def _router_body(x_ref, wr_ref, pos_ref, sc_ref):
    xf = x_ref[...]
    wr = wr_ref[...]
    logits = lax.dot_general(
        xf, wr, (((1,), (1,)), ((), ())), preferred_element_type=jnp.float32
    )
    rowmax = jnp.max(logits, axis=1, keepdims=True)
    iota_e = lax.broadcasted_iota(jnp.int32, (N, E), 1).astype(jnp.float32)
    is_max = logits == rowmax
    e_tok = jnp.min(jnp.where(is_max, iota_e, float(E)), axis=1, keepdims=True)
    onehot = (iota_e == e_tok).astype(jnp.float32)

    counts = jnp.sum(onehot, axis=0, keepdims=True)
    padded = jnp.ceil(counts / ALIGN) * ALIGN
    ia = lax.broadcasted_iota(jnp.int32, (E, E), 0)
    ib = lax.broadcasted_iota(jnp.int32, (E, E), 1)
    strict_lt = (ia < ib).astype(jnp.float32)
    offsets = lax.dot_general(
        padded, strict_lt, (((1,), (0,)), ((), ())),
        preferred_element_type=jnp.float32,
    )

    blk = 512
    nb = N // blk
    blkcnt = jnp.concatenate(
        [jnp.sum(onehot[b * blk:(b + 1) * blk, :], axis=0, keepdims=True)
         for b in range(nb)], axis=0)
    sa = lax.broadcasted_iota(jnp.int32, (nb, nb), 0)
    sb = lax.broadcasted_iota(jnp.int32, (nb, nb), 1)
    strict_blk = (sb < sa).astype(jnp.float32)
    base = lax.dot_general(
        strict_blk, blkcnt, (((1,), (0,)), ((), ())),
        preferred_element_type=jnp.float32,
    )
    jj = lax.broadcasted_iota(jnp.int32, (blk, blk), 1)
    ii = lax.broadcasted_iota(jnp.int32, (blk, blk), 0)
    strict_in = (jj < ii).astype(jnp.float32)
    for b in range(nb):
        r0 = b * blk
        mb = onehot[r0:r0 + blk, :]
        same = lax.dot_general(
            mb, mb, (((1,), (1,)), ((), ())),
            preferred_element_type=jnp.float32,
        )
        rank = jnp.sum(same * strict_in, axis=1, keepdims=True)
        off_b = offsets + base[b:b + 1, :]
        tok_off = jnp.sum(mb * off_b, axis=1, keepdims=True)
        pos_ref[r0:r0 + blk, :] = (tok_off + rank).astype(jnp.int32)

    table = jnp.concatenate(
        [offsets.astype(jnp.int32), counts.astype(jnp.int32),
         jnp.zeros((6, E), jnp.int32)], axis=0)
    sc_ref[...] = table


_router_call = pl.pallas_call(
    _router_body,
    out_shape=(
        jax.ShapeDtypeStruct((N, 1), jnp.int32),
        jax.ShapeDtypeStruct((8, E), jnp.int32),
    ),
)


def _expert_body(sc_ref, xs_ref, wg_ref, wu_ref, wd_ref, out_ref):
    e = pl.program_id(0)
    start = pl.multiple_of(sc_ref[e], ALIGN)
    count = sc_ref[E + e]
    ntiles = (count + TILE - 1) // TILE

    def tile_body(t, carry):
        r = start + t * TILE
        xb = xs_ref[pl.ds(r, TILE), :]
        g = lax.dot_general(
            xb, wg_ref[0], (((1,), (1,)), ((), ())),
            preferred_element_type=jnp.float32)
        u = lax.dot_general(
            xb, wu_ref[0], (((1,), (1,)), ((), ())),
            preferred_element_type=jnp.float32)
        h = g * jax.nn.sigmoid(g) * u
        o = lax.dot_general(
            h, wd_ref[0], (((1,), (1,)), ((), ())),
            preferred_element_type=jnp.float32)
        out_ref[pl.ds(r, TILE), :] = o
        return carry

    lax.fori_loop(0, ntiles, tile_body, 0)


_expert_call = pl.pallas_call(
    _expert_body,
    grid_spec=pltpu.PrefetchScalarGridSpec(
        num_scalar_prefetch=1,
        grid=(E,),
        in_specs=[
            pl.BlockSpec((NPAD, D), lambda e, sc: (0, 0)),
            pl.BlockSpec((1, FF, D), lambda e, sc: (e, 0, 0)),
            pl.BlockSpec((1, FF, D), lambda e, sc: (e, 0, 0)),
            pl.BlockSpec((1, D, FF), lambda e, sc: (e, 0, 0)),
        ],
        out_specs=pl.BlockSpec((NPAD, D), lambda e, sc: (0, 0)),
    ),
    out_shape=jax.ShapeDtypeStruct((NPAD, D), jnp.float32),
    compiler_params=pltpu.CompilerParams(vmem_limit_bytes=100 * 1024 * 1024),
)

@functools.cache
def _build_sc_kernels():
    mesh = plsc.VectorSubcoreMesh(core_axis_name="c", subcore_axis_name="s")

    @functools.partial(
        pl.kernel,
        out_type=jax.ShapeDtypeStruct((NPAD, D), jnp.float32),
        mesh=mesh,
        scratch_types=(
            pltpu.VMEM((_CHUNK,), jnp.int32),
            pltpu.VMEM((_CHUNK, D), jnp.float32),
            pltpu.SemaphoreType.DMA,
        ),
    )
    def _scatter_tokens(x_hbm, pos_hbm, xs_hbm, idx_v, row_v, sem):
        wid = lax.axis_index("s") * _NC + lax.axis_index("c")
        base = wid * _ROWS_PER_W
        for it in range(_ROWS_PER_W // _CHUNK):
            b = base + it * _CHUNK
            pltpu.sync_copy(pos_hbm.at[pl.ds(b, _CHUNK)], idx_v)
            pltpu.sync_copy(x_hbm.at[pl.ds(b, _CHUNK)], row_v)
            pltpu.async_copy(row_v, xs_hbm.at[idx_v], sem).wait()

    @functools.partial(
        pl.kernel,
        out_type=jax.ShapeDtypeStruct((N, D), jnp.float32),
        mesh=mesh,
        scratch_types=(
            pltpu.VMEM((_CHUNK,), jnp.int32),
            pltpu.VMEM((_CHUNK, D), jnp.float32),
            pltpu.SemaphoreType.DMA,
        ),
    )
    def _gather_out(outs_hbm, pos_hbm, out_hbm, idx_v, row_v, sem):
        wid = lax.axis_index("s") * _NC + lax.axis_index("c")
        base = wid * _ROWS_PER_W
        for it in range(_ROWS_PER_W // _CHUNK):
            b = base + it * _CHUNK
            pltpu.sync_copy(pos_hbm.at[pl.ds(b, _CHUNK)], idx_v)
            pltpu.async_copy(outs_hbm.at[idx_v], row_v, sem).wait()
            pltpu.sync_copy(row_v, out_hbm.at[pl.ds(b, _CHUNK)])

    return _scatter_tokens, _gather_out


def kernel(x, W_router, W_gate, W_up, W_down):
    Bx, Tx, Dx = x.shape
    xf = x.reshape(Bx * Tx, Dx)
    pos2d, table = _router_call(xf, W_router)
    pos = pos2d.reshape(-1)
    scal = jnp.concatenate([table[0], table[1]])
    _scatter_tokens, _gather_out = _build_sc_kernels()
    xs = _scatter_tokens(xf, pos)
    outs = _expert_call(scal, xs, W_gate, W_up, W_down)
    out = _gather_out(outs, pos)
    return out.reshape(Bx, Tx, Dx)

# --- scband reference (transcript-rebuilt; emitter-appended) ---
"""Pipeline reference for scband-mo-e-2113123910117 (READ-ONLY COPY).

The authoritative reference and input builder live on the scoring server;
editing this copy changes nothing except your own understanding.
"""

import jax, jax.numpy as jnp
import numpy as np

D = 1024
FF = 1024
E = 64
K = 1
B = 2
T = 2048


def setup_inputs(seed: int = 0) -> dict:
    key = jax.random.key(seed)
    ks = jax.random.split(key, 5)
    x = jax.random.normal(ks[0], (B, T, D), dtype=jnp.float32)
    W_router = jax.random.normal(ks[1], (E, D), dtype=jnp.float32) * 0.02
    W_gate = jax.random.normal(ks[2], (E, FF, D), dtype=jnp.float32) * 0.02
    W_up = jax.random.normal(ks[3], (E, FF, D), dtype=jnp.float32) * 0.02
    W_down = jax.random.normal(ks[4], (E, D, FF), dtype=jnp.float32) * 0.02
    return {"x": x, "W_router": W_router, "W_gate": W_gate, "W_up": W_up, "W_down": W_down}


def reference(x, W_router, W_gate, W_up, W_down):
    Bx, Tx, Dx = x.shape
    router_logits = x @ W_router.T  # (B, T, E)
    router_probs = jax.nn.softmax(router_logits, axis=-1)
    topk_probs, topk_indices = jax.lax.top_k(router_probs, K)
    topk_probs = topk_probs / (jnp.sum(topk_probs, axis=-1, keepdims=True) + 1e-08)
    x_flat = x.reshape(Bx * Tx, Dx)
    idx_flat = topk_indices.reshape(Bx * Tx, K)
    p_flat = topk_probs.reshape(Bx * Tx, K)
    output = jnp.zeros_like(x_flat)
    for k in range(K):
        expert_indices = idx_flat[:, k]

        def body(e, acc):
            mask = (expert_indices == e).astype(x_flat.dtype)[:, None]
            gate = x_flat @ W_gate[e].T
            up = x_flat @ W_up[e].T
            swish = gate * jax.nn.sigmoid(gate)
            expert_out = (swish * up) @ W_down[e].T
            return acc + mask * p_flat[:, k:k + 1] * expert_out

        output = jax.lax.fori_loop(0, E, body, output)
    return output.reshape(Bx, Tx, Dx)

if __name__ == "__main__":
    import jax
    _d = setup_inputs()
    print(jax.jit(kernel)(*tuple(_d.values())))

</pallas_src>

<mosaic_0001>
#map = affine_map<(d0, d1) -> (0, 0)>
#map1 = affine_map<(d0, d1) -> (0)>
module attributes {stable_mosaic.version = 14 : i64} {
  func.func @_scatter_tokens(%arg0: i32, %arg1: i32, %arg2: memref<4096x1024xf32, #tpu.memory_space<hbm>>, %arg3: memref<4096xi32, #tpu.memory_space<hbm>>, %arg4: memref<4672x1024xf32, #tpu.memory_space<hbm>>, %arg5: memref<64xi32, #tpu.memory_space<vmem>>, %arg6: memref<64x1024xf32, #tpu.memory_space<vmem>>, %arg7: memref<!tpu.dma_semaphore, #tpu.memory_space<semaphore_mem>>) attributes {dimension_semantics = [#tpu.dimension_semantics<core_parallel>, #tpu.dimension_semantics<subcore_parallel>], iteration_bounds = array<i64: 2, 16>, scalar_prefetch = 0 : i64, scratch_operands = 3 : i64, tpu.core_type = #tpu.core_type<sc_vector_subcore>, window_params = [{transform_indices = #map}, {transform_indices = #map1}, {transform_indices = #map}]} {
    %mul3A = arith.constant 2 : i32
    %mul3A_0 = arith.muli %arg1, %mul3A : i32
    %add3A = arith.addi %mul3A_0, %arg0 : i32
    %mul3A_1 = arith.constant 128 : i32
    %mul3A_2 = arith.muli %add3A, %mul3A_1 : i32
    %add3A_3 = arith.constant 0 : i32
    %add3A_4 = arith.addi %mul3A_2, %add3A_3 : i32
    "tpu.region"() ({
      %run_scoped3A = tpu.sem_alloc : memref<!tpu.dma_semaphore, #tpu.memory_space<semaphore_mem>>
      %dma_start3A_17 = tpu.memref_slice %arg3[%add3A_4] : memref<4096xi32, #tpu.memory_space<hbm>> -> memref<64xi32, #tpu.memory_space<hbm>>
      %dma_start3A_18 = tpu.memref_slice %arg3[%add3A_4] : memref<4096xi32, #tpu.memory_space<hbm>> -> memref<64xi32, #tpu.memory_space<hbm>>
      tpu.enqueue_dma source(%dma_start3A_18 : memref<64xi32, #tpu.memory_space<hbm>>) target(%arg5 : memref<64xi32, #tpu.memory_space<vmem>>) target_semaphore(%run_scoped3A : memref<!tpu.dma_semaphore, #tpu.memory_space<semaphore_mem>>)
      %dma_wait3A_19 = tpu.memref_slice %arg3[%add3A_4] : memref<4096xi32, #tpu.memory_space<hbm>> -> memref<64xi32, #tpu.memory_space<hbm>>
      %dma_wait3A_20 = tpu.memref_slice %arg3[%add3A_4] : memref<4096xi32, #tpu.memory_space<hbm>> -> memref<64xi32, #tpu.memory_space<hbm>>
      tpu.wait_dma2 semaphore(%run_scoped3A : memref<!tpu.dma_semaphore, #tpu.memory_space<semaphore_mem>>) src(%dma_wait3A_20 : memref<64xi32, #tpu.memory_space<hbm>>) dst(%arg5 : memref<64xi32, #tpu.memory_space<vmem>>)
      tpu.yield
    }) : () -> ()
    "tpu.region"() ({
      %run_scoped3A = tpu.sem_alloc : memref<!tpu.dma_semaphore, #tpu.memory_space<semaphore_mem>>
      %dma_start3A_17 = arith.constant 0 : i32
      %dma_start3A_18 = tpu.memref_slice %arg2[%add3A_4, %dma_start3A_17] : memref<4096x1024xf32, #tpu.memory_space<hbm>> -> memref<64x1024xf32, #tpu.memory_space<hbm>>
      %dma_start3A_19 = arith.constant 0 : i32
      %dma_start3A_20 = tpu.memref_slice %arg2[%add3A_4, %dma_start3A_19] : memref<4096x1024xf32, #tpu.memory_space<hbm>> -> memref<64x1024xf32, #tpu.memory_space<hbm>>
      tpu.enqueue_dma source(%dma_start3A_20 : memref<64x1024xf32, #tpu.memory_space<hbm>>) target(%arg6 : memref<64x1024xf32, #tpu.memory_space<vmem>>) target_semaphore(%run_scoped3A : memref<!tpu.dma_semaphore, #tpu.memory_space<semaphore_mem>>)
      %dma_wait3A_21 = arith.constant 0 : i32
      %dma_wait3A_22 = tpu.memref_slice %arg2[%add3A_4, %dma_wait3A_21] : memref<4096x1024xf32, #tpu.memory_space<hbm>> -> memref<64x1024xf32, #tpu.memory_space<hbm>>
      %dma_wait3A_23 = arith.constant 0 : i32
      %dma_wait3A_24 = tpu.memref_slice %arg2[%add3A_4, %dma_wait3A_23] : memref<4096x1024xf32, #tpu.memory_space<hbm>> -> memref<64x1024xf32, #tpu.memory_space<hbm>>
      tpu.wait_dma2 semaphore(%run_scoped3A : memref<!tpu.dma_semaphore, #tpu.memory_space<semaphore_mem>>) src(%dma_wait3A_24 : memref<64x1024xf32, #tpu.memory_space<hbm>>) dst(%arg6 : memref<64x1024xf32, #tpu.memory_space<vmem>>)
      tpu.yield
    }) : () -> ()
    %dma_start3A = arith.constant 0 : i32
    %dma_start3A_5 = arith.constant 0 : i32
    %dma_start3A_6 = tpu.memref_slice %arg4[%dma_start3A, %dma_start3A_5] : memref<4672x1024xf32, #tpu.memory_space<hbm>> -> memref<4672x1024xf32, #tpu.memory_space<hbm>>
    tpu.enqueue_indirect_dma source(%arg6 : memref<64x1024xf32, #tpu.memory_space<vmem>>) target(%dma_start3A_6 : memref<4672x1024xf32, #tpu.memory_space<hbm>>) offsets(%arg5 : memref<64xi32, #tpu.memory_space<vmem>>) semaphore(%arg7 : memref<!tpu.dma_semaphore, #tpu.memory_space<semaphore_mem>>)
    %dma_wait3A = arith.constant 0 : i32
    %dma_wait3A_7 = arith.constant 0 : i32
    %dma_wait3A_8 = tpu.memref_slice %arg4[%dma_wait3A, %dma_wait3A_7] : memref<4672x1024xf32, #tpu.memory_space<hbm>> -> memref<4672x1024xf32, #tpu.memory_space<hbm>>
    tpu.wait_indirect_dma semaphore(%arg7 : memref<!tpu.dma_semaphore, #tpu.memory_space<semaphore_mem>>) src(%arg6 : memref<64x1024xf32, #tpu.memory_space<vmem>>) dst(%dma_wait3A_8 : memref<4672x1024xf32, #tpu.memory_space<hbm>>)
    %add3A_9 = arith.constant 64 : i32
    %add3A_10 = arith.addi %mul3A_2, %add3A_9 : i32
    "tpu.region"() ({
      %run_scoped3A = tpu.sem_alloc : memref<!tpu.dma_semaphore, #tpu.memory_space<semaphore_mem>>
      %dma_start3A_17 = tpu.memref_slice %arg3[%add3A_10] : memref<4096xi32, #tpu.memory_space<hbm>> -> memref<64xi32, #tpu.memory_space<hbm>>
      %dma_start3A_18 = tpu.memref_slice %arg3[%add3A_10] : memref<4096xi32, #tpu.memory_space<hbm>> -> memref<64xi32, #tpu.memory_space<hbm>>
      tpu.enqueue_dma source(%dma_start3A_18 : memref<64xi32, #tpu.memory_space<hbm>>) target(%arg5 : memref<64xi32, #tpu.memory_space<vmem>>) target_semaphore(%run_scoped3A : memref<!tpu.dma_semaphore, #tpu.memory_space<semaphore_mem>>)
      %dma_wait3A_19 = tpu.memref_slice %arg3[%add3A_10] : memref<4096xi32, #tpu.memory_space<hbm>> -> memref<64xi32, #tpu.memory_space<hbm>>
      %dma_wait3A_20 = tpu.memref_slice %arg3[%add3A_10] : memref<4096xi32, #tpu.memory_space<hbm>> -> memref<64xi32, #tpu.memory_space<hbm>>
      tpu.wait_dma2 semaphore(%run_scoped3A : memref<!tpu.dma_semaphore, #tpu.memory_space<semaphore_mem>>) src(%dma_wait3A_20 : memref<64xi32, #tpu.memory_space<hbm>>) dst(%arg5 : memref<64xi32, #tpu.memory_space<vmem>>)
      tpu.yield
    }) : () -> ()
    "tpu.region"() ({
      %run_scoped3A = tpu.sem_alloc : memref<!tpu.dma_semaphore, #tpu.memory_space<semaphore_mem>>
      %dma_start3A_17 = arith.constant 0 : i32
      %dma_start3A_18 = tpu.memref_slice %arg2[%add3A_10, %dma_start3A_17] : memref<4096x1024xf32, #tpu.memory_space<hbm>> -> memref<64x1024xf32, #tpu.memory_space<hbm>>
      %dma_start3A_19 = arith.constant 0 : i32
      %dma_start3A_20 = tpu.memref_slice %arg2[%add3A_10, %dma_start3A_19] : memref<4096x1024xf32, #tpu.memory_space<hbm>> -> memref<64x1024xf32, #tpu.memory_space<hbm>>
      tpu.enqueue_dma source(%dma_start3A_20 : memref<64x1024xf32, #tpu.memory_space<hbm>>) target(%arg6 : memref<64x1024xf32, #tpu.memory_space<vmem>>) target_semaphore(%run_scoped3A : memref<!tpu.dma_semaphore, #tpu.memory_space<semaphore_mem>>)
      %dma_wait3A_21 = arith.constant 0 : i32
      %dma_wait3A_22 = tpu.memref_slice %arg2[%add3A_10, %dma_wait3A_21] : memref<4096x1024xf32, #tpu.memory_space<hbm>> -> memref<64x1024xf32, #tpu.memory_space<hbm>>
      %dma_wait3A_23 = arith.constant 0 : i32
      %dma_wait3A_24 = tpu.memref_slice %arg2[%add3A_10, %dma_wait3A_23] : memref<4096x1024xf32, #tpu.memory_space<hbm>> -> memref<64x1024xf32, #tpu.memory_space<hbm>>
      tpu.wait_dma2 semaphore(%run_scoped3A : memref<!tpu.dma_semaphore, #tpu.memory_space<semaphore_mem>>) src(%dma_wait3A_24 : memref<64x1024xf32, #tpu.memory_space<hbm>>) dst(%arg6 : memref<64x1024xf32, #tpu.memory_space<vmem>>)
      tpu.yield
    }) : () -> ()
    %dma_start3A_11 = arith.constant 0 : i32
    %dma_start3A_12 = arith.constant 0 : i32
    %dma_start3A_13 = tpu.memref_slice %arg4[%dma_start3A_11, %dma_start3A_12] : memref<4672x1024xf32, #tpu.memory_space<hbm>> -> memref<4672x1024xf32, #tpu.memory_space<hbm>>
    tpu.enqueue_indirect_dma source(%arg6 : memref<64x1024xf32, #tpu.memory_space<vmem>>) target(%dma_start3A_13 : memref<4672x1024xf32, #tpu.memory_space<hbm>>) offsets(%arg5 : memref<64xi32, #tpu.memory_space<vmem>>) semaphore(%arg7 : memref<!tpu.dma_semaphore, #tpu.memory_space<semaphore_mem>>)
    %dma_wait3A_14 = arith.constant 0 : i32
    %dma_wait3A_15 = arith.constant 0 : i32
    %dma_wait3A_16 = tpu.memref_slice %arg4[%dma_wait3A_14, %dma_wait3A_15] : memref<4672x1024xf32, #tpu.memory_space<hbm>> -> memref<4672x1024xf32, #tpu.memory_space<hbm>>
    tpu.wait_indirect_dma semaphore(%arg7 : memref<!tpu.dma_semaphore, #tpu.memory_space<semaphore_mem>>) src(%arg6 : memref<64x1024xf32, #tpu.memory_space<vmem>>) dst(%dma_wait3A_16 : memref<4672x1024xf32, #tpu.memory_space<hbm>>)
    return
  }
}

#map = affine_map<(d0, d1) -> (0, 0)>
#map1 = affine_map<(d0, d1) -> (0)>
module attributes {stable_mosaic.version = 14 : i64} {
  func.func @_gather_out(%arg0: i32, %arg1: i32, %arg2: memref<4672x1024xf32, #tpu.memory_space<hbm>>, %arg3: memref<4096xi32, #tpu.memory_space<hbm>>, %arg4: memref<4096x1024xf32, #tpu.memory_space<hbm>>, %arg5: memref<64xi32, #tpu.memory_space<vmem>>, %arg6: memref<64x1024xf32, #tpu.memory_space<vmem>>, %arg7: memref<!tpu.dma_semaphore, #tpu.memory_space<semaphore_mem>>) attributes {dimension_semantics = [#tpu.dimension_semantics<core_parallel>, #tpu.dimension_semantics<subcore_parallel>], iteration_bounds = array<i64: 2, 16>, scalar_prefetch = 0 : i64, scratch_operands = 3 : i64, tpu.core_type = #tpu.core_type<sc_vector_subcore>, window_params = [{transform_indices = #map}, {transform_indices = #map1}, {transform_indices = #map}]} {
    %mul3A = arith.constant 2 : i32
    %mul3A_0 = arith.muli %arg1, %mul3A : i32
    %add3A = arith.addi %mul3A_0, %arg0 : i32
    %mul3A_1 = arith.constant 128 : i32
    %mul3A_2 = arith.muli %add3A, %mul3A_1 : i32
    %add3A_3 = arith.constant 0 : i32
    %add3A_4 = arith.addi %mul3A_2, %add3A_3 : i32
    "tpu.region"() ({
      %run_scoped3A = tpu.sem_alloc : memref<!tpu.dma_semaphore, #tpu.memory_space<semaphore_mem>>
      %dma_start3A_17 = tpu.memref_slice %arg3[%add3A_4] : memref<4096xi32, #tpu.memory_space<hbm>> -> memref<64xi32, #tpu.memory_space<hbm>>
      %dma_start3A_18 = tpu.memref_slice %arg3[%add3A_4] : memref<4096xi32, #tpu.memory_space<hbm>> -> memref<64xi32, #tpu.memory_space<hbm>>
      tpu.enqueue_dma source(%dma_start3A_18 : memref<64xi32, #tpu.memory_space<hbm>>) target(%arg5 : memref<64xi32, #tpu.memory_space<vmem>>) target_semaphore(%run_scoped3A : memref<!tpu.dma_semaphore, #tpu.memory_space<semaphore_mem>>)
      %dma_wait3A_19 = tpu.memref_slice %arg3[%add3A_4] : memref<4096xi32, #tpu.memory_space<hbm>> -> memref<64xi32, #tpu.memory_space<hbm>>
      %dma_wait3A_20 = tpu.memref_slice %arg3[%add3A_4] : memref<4096xi32, #tpu.memory_space<hbm>> -> memref<64xi32, #tpu.memory_space<hbm>>
      tpu.wait_dma2 semaphore(%run_scoped3A : memref<!tpu.dma_semaphore, #tpu.memory_space<semaphore_mem>>) src(%dma_wait3A_20 : memref<64xi32, #tpu.memory_space<hbm>>) dst(%arg5 : memref<64xi32, #tpu.memory_space<vmem>>)
      tpu.yield
    }) : () -> ()
    %dma_start3A = arith.constant 0 : i32
    %dma_start3A_5 = arith.constant 0 : i32
    %dma_start3A_6 = tpu.memref_slice %arg2[%dma_start3A, %dma_start3A_5] : memref<4672x1024xf32, #tpu.memory_space<hbm>> -> memref<4672x1024xf32, #tpu.memory_space<hbm>>
    tpu.enqueue_indirect_dma source(%dma_start3A_6 : memref<4672x1024xf32, #tpu.memory_space<hbm>>) target(%arg6 : memref<64x1024xf32, #tpu.memory_space<vmem>>) offsets(%arg5 : memref<64xi32, #tpu.memory_space<vmem>>) semaphore(%arg7 : memref<!tpu.dma_semaphore, #tpu.memory_space<semaphore_mem>>)
    %dma_wait3A = arith.constant 0 : i32
    %dma_wait3A_7 = arith.constant 0 : i32
    %dma_wait3A_8 = tpu.memref_slice %arg2[%dma_wait3A, %dma_wait3A_7] : memref<4672x1024xf32, #tpu.memory_space<hbm>> -> memref<4672x1024xf32, #tpu.memory_space<hbm>>
    tpu.wait_indirect_dma semaphore(%arg7 : memref<!tpu.dma_semaphore, #tpu.memory_space<semaphore_mem>>) src(%dma_wait3A_8 : memref<4672x1024xf32, #tpu.memory_space<hbm>>) dst(%arg6 : memref<64x1024xf32, #tpu.memory_space<vmem>>)
    "tpu.region"() ({
      %run_scoped3A = tpu.sem_alloc : memref<!tpu.dma_semaphore, #tpu.memory_space<semaphore_mem>>
      %dma_start3A_17 = arith.constant 0 : i32
      %dma_start3A_18 = tpu.memref_slice %arg4[%add3A_4, %dma_start3A_17] : memref<4096x1024xf32, #tpu.memory_space<hbm>> -> memref<64x1024xf32, #tpu.memory_space<hbm>>
      %dma_start3A_19 = arith.constant 0 : i32
      %dma_start3A_20 = tpu.memref_slice %arg4[%add3A_4, %dma_start3A_19] : memref<4096x1024xf32, #tpu.memory_space<hbm>> -> memref<64x1024xf32, #tpu.memory_space<hbm>>
      tpu.enqueue_dma source(%arg6 : memref<64x1024xf32, #tpu.memory_space<vmem>>) target(%dma_start3A_20 : memref<64x1024xf32, #tpu.memory_space<hbm>>) target_semaphore(%run_scoped3A : memref<!tpu.dma_semaphore, #tpu.memory_space<semaphore_mem>>)
      %dma_wait3A_21 = arith.constant 0 : i32
      %dma_wait3A_22 = tpu.memref_slice %arg4[%add3A_4, %dma_wait3A_21] : memref<4096x1024xf32, #tpu.memory_space<hbm>> -> memref<64x1024xf32, #tpu.memory_space<hbm>>
      %dma_wait3A_23 = arith.constant 0 : i32
      %dma_wait3A_24 = tpu.memref_slice %arg4[%add3A_4, %dma_wait3A_23] : memref<4096x1024xf32, #tpu.memory_space<hbm>> -> memref<64x1024xf32, #tpu.memory_space<hbm>>
      tpu.wait_dma2 semaphore(%run_scoped3A : memref<!tpu.dma_semaphore, #tpu.memory_space<semaphore_mem>>) src(%arg6 : memref<64x1024xf32, #tpu.memory_space<vmem>>) dst(%dma_wait3A_24 : memref<64x1024xf32, #tpu.memory_space<hbm>>)
      tpu.yield
    }) : () -> ()
    %add3A_9 = arith.constant 64 : i32
    %add3A_10 = arith.addi %mul3A_2, %add3A_9 : i32
    "tpu.region"() ({
      %run_scoped3A = tpu.sem_alloc : memref<!tpu.dma_semaphore, #tpu.memory_space<semaphore_mem>>
      %dma_start3A_17 = tpu.memref_slice %arg3[%add3A_10] : memref<4096xi32, #tpu.memory_space<hbm>> -> memref<64xi32, #tpu.memory_space<hbm>>
      %dma_start3A_18 = tpu.memref_slice %arg3[%add3A_10] : memref<4096xi32, #tpu.memory_space<hbm>> -> memref<64xi32, #tpu.memory_space<hbm>>
      tpu.enqueue_dma source(%dma_start3A_18 : memref<64xi32, #tpu.memory_space<hbm>>) target(%arg5 : memref<64xi32, #tpu.memory_space<vmem>>) target_semaphore(%run_scoped3A : memref<!tpu.dma_semaphore, #tpu.memory_space<semaphore_mem>>)
      %dma_wait3A_19 = tpu.memref_slice %arg3[%add3A_10] : memref<4096xi32, #tpu.memory_space<hbm>> -> memref<64xi32, #tpu.memory_space<hbm>>
      %dma_wait3A_20 = tpu.memref_slice %arg3[%add3A_10] : memref<4096xi32, #tpu.memory_space<hbm>> -> memref<64xi32, #tpu.memory_space<hbm>>
      tpu.wait_dma2 semaphore(%run_scoped3A : memref<!tpu.dma_semaphore, #tpu.memory_space<semaphore_mem>>) src(%dma_wait3A_20 : memref<64xi32, #tpu.memory_space<hbm>>) dst(%arg5 : memref<64xi32, #tpu.memory_space<vmem>>)
      tpu.yield
    }) : () -> ()
    %dma_start3A_11 = arith.constant 0 : i32
    %dma_start3A_12 = arith.constant 0 : i32
    %dma_start3A_13 = tpu.memref_slice %arg2[%dma_start3A_11, %dma_start3A_12] : memref<4672x1024xf32, #tpu.memory_space<hbm>> -> memref<4672x1024xf32, #tpu.memory_space<hbm>>
    tpu.enqueue_indirect_dma source(%dma_start3A_13 : memref<4672x1024xf32, #tpu.memory_space<hbm>>) target(%arg6 : memref<64x1024xf32, #tpu.memory_space<vmem>>) offsets(%arg5 : memref<64xi32, #tpu.memory_space<vmem>>) semaphore(%arg7 : memref<!tpu.dma_semaphore, #tpu.memory_space<semaphore_mem>>)
    %dma_wait3A_14 = arith.constant 0 : i32
    %dma_wait3A_15 = arith.constant 0 : i32
    %dma_wait3A_16 = tpu.memref_slice %arg2[%dma_wait3A_14, %dma_wait3A_15] : memref<4672x1024xf32, #tpu.memory_space<hbm>> -> memref<4672x1024xf32, #tpu.memory_space<hbm>>
    tpu.wait_indirect_dma semaphore(%arg7 : memref<!tpu.dma_semaphore, #tpu.memory_space<semaphore_mem>>) src(%dma_wait3A_16 : memref<4672x1024xf32, #tpu.memory_space<hbm>>) dst(%arg6 : memref<64x1024xf32, #tpu.memory_space<vmem>>)
    "tpu.region"() ({
      %run_scoped3A = tpu.sem_alloc : memref<!tpu.dma_semaphore, #tpu.memory_space<semaphore_mem>>
      %dma_start3A_17 = arith.constant 0 : i32
      %dma_start3A_18 = tpu.memref_slice %arg4[%add3A_10, %dma_start3A_17] : memref<4096x1024xf32, #tpu.memory_space<hbm>> -> memref<64x1024xf32, #tpu.memory_space<hbm>>
      %dma_start3A_19 = arith.constant 0 : i32
      %dma_start3A_20 = tpu.memref_slice %arg4[%add3A_10, %dma_start3A_19] : memref<4096x1024xf32, #tpu.memory_space<hbm>> -> memref<64x1024xf32, #tpu.memory_space<hbm>>
      tpu.enqueue_dma source(%arg6 : memref<64x1024xf32, #tpu.memory_space<vmem>>) target(%dma_start3A_20 : memref<64x1024xf32, #tpu.memory_space<hbm>>) target_semaphore(%run_scoped3A : memref<!tpu.dma_semaphore, #tpu.memory_space<semaphore_mem>>)
      %dma_wait3A_21 = arith.constant 0 : i32
      %dma_wait3A_22 = tpu.memref_slice %arg4[%add3A_10, %dma_wait3A_21] : memref<4096x1024xf32, #tpu.memory_space<hbm>> -> memref<64x1024xf32, #tpu.memory_space<hbm>>
      %dma_wait3A_23 = arith.constant 0 : i32
      %dma_wait3A_24 = tpu.memref_slice %arg4[%add3A_10, %dma_wait3A_23] : memref<4096x1024xf32, #tpu.memory_space<hbm>> -> memref<64x1024xf32, #tpu.memory_space<hbm>>
      tpu.wait_dma2 semaphore(%run_scoped3A : memref<!tpu.dma_semaphore, #tpu.memory_space<semaphore_mem>>) src(%arg6 : memref<64x1024xf32, #tpu.memory_space<vmem>>) dst(%dma_wait3A_24 : memref<64x1024xf32, #tpu.memory_space<hbm>>)
      tpu.yield
    }) : () -> ()
    return
  }
}

module attributes {stable_mosaic.version = 14 : i64} {
  func.func @_expert_body(%arg0: i32, %arg1: memref<128xi32, #tpu.memory_space<smem>>, %arg2: memref<4672x1024xf32, #tpu.memory_space<vmem>>, %arg3: memref<1x1024x1024xf32, #tpu.memory_space<vmem>>, %arg4: memref<1x1024x1024xf32, #tpu.memory_space<vmem>>, %arg5: memref<1x1024x1024xf32, #tpu.memory_space<vmem>>, %arg6: memref<4672x1024xf32, #tpu.memory_space<vmem>>) attributes {dimension_semantics = [#tpu.dimension_semantics<arbitrary>], iteration_bounds = array<i64: 64>, scalar_prefetch = 1 : i64, scratch_operands = 0 : i64, tpu.core_type = #tpu.core_type<tc>, window_params = [{pipeline_mode = #tpu.pipeline_mode<synchronous>, transform_indices = @transform_0, window_bounds = array<i64: 4672, 1024>}, {transform_indices = @transform_1, window_bounds = array<i64: 1, 1024, 1024>}, {transform_indices = @transform_2, window_bounds = array<i64: 1, 1024, 1024>}, {transform_indices = @transform_3, window_bounds = array<i64: 1, 1024, 1024>}, {pipeline_mode = #tpu.pipeline_mode<synchronous>, transform_indices = @transform_4, window_bounds = array<i64: 4672, 1024>}]} {
    %get3A = arith.index_cast %arg0 : i32 to index
    %get3A_0 = memref.load %arg1[%get3A] : memref<128xi32, #tpu.memory_space<smem>>
    %multiple_of3A = tpu.assume_multiple %get3A_0, 8 : i32
    %add3A = arith.constant 64 : i32
    %add3A_1 = arith.addi %add3A, %arg0 : i32
    %get3A_2 = arith.index_cast %add3A_1 : i32 to index
    %get3A_3 = memref.load %arg1[%get3A_2] : memref<128xi32, #tpu.memory_space<smem>>
    %add3A_4 = arith.constant 128 : i32
    %add3A_5 = arith.addi %get3A_3, %add3A_4 : i32
    %sub3A = arith.constant 1 : i32
    %sub3A_6 = arith.subi %add3A_5, %sub3A : i32
    %jit3A = arith.constant 128 : i32
    %div3A = arith.divsi %sub3A_6, %jit3A : i32
    %sign3A = arith.constant 0 : i32
    %sign3A_7 = arith.cmpi sgt, %sub3A_6, %sign3A : i32
    %sign3A_8 = arith.extui %sign3A_7 : i1 to i32
    %sign3A_9 = arith.constant 0 : i32
    %sign3A_10 = arith.cmpi slt, %sub3A_6, %sign3A_9 : i32
    %sign3A_11 = arith.extui %sign3A_10 : i1 to i32
    %sign3A_12 = arith.subi %sign3A_8, %sign3A_11 : i32
    %sign3A_13 = arith.constant 0 : i32
    %sign3A_14 = arith.cmpi sgt, %jit3A, %sign3A_13 : i32
    %sign3A_15 = arith.extui %sign3A_14 : i1 to i32
    %sign3A_16 = arith.constant 0 : i32
    %sign3A_17 = arith.cmpi slt, %jit3A, %sign3A_16 : i32
    %sign3A_18 = arith.extui %sign3A_17 : i1 to i32
    %sign3A_19 = arith.subi %sign3A_15, %sign3A_18 : i32
    %ne3A = arith.cmpi ne, %sign3A_12, %sign3A_19 : i32
    %rem3A = arith.remsi %sub3A_6, %jit3A : i32
    %ne3A_20 = arith.constant 0 : i32
    %ne3A_21 = arith.cmpi ne, %rem3A, %ne3A_20 : i32
    %and3A = arith.andi %ne3A, %ne3A_21 : i1
    %sub3A_22 = arith.constant 1 : i32
    %sub3A_23 = arith.subi %div3A, %sub3A_22 : i32
    %select_n3A = arith.select %and3A, %sub3A_23, %div3A : i32
    %while3A = arith.constant 0 : i32
    %while3A_24 = arith.constant 0 : i32
    %while3A_25 = arith.subi %select_n3A, %while3A_24 : i32
    %while3A_26 = arith.addi %while3A_24, %while3A_25 : i32
    %while3A_27 = arith.constant 1 : i32
    %while3A_28 = arith.divsi %while3A_25, %while3A_27 : i32
    %while3A_29 = arith.muli %while3A_28, %while3A_27 : i32
    %while3A_30 = arith.addi %while3A_24, %while3A_29 : i32
    %while3A_31 = arith.constant 1 : i32
    scf.for %while3A_33 = %while3A_24 to %while3A_30 step %while3A_31  : i32 {
      %mul3A = arith.constant 128 : i32
      %mul3A_34 = arith.muli %while3A_33, %mul3A : i32
      %add3A_35 = arith.addi %multiple_of3A, %mul3A_34 : i32
      %get3A_36 = arith.index_cast %add3A_35 : i32 to index
      %get3A_37 = arith.constant 0 : index
      %get3A_38 = vector.load %arg2[%get3A_36, %get3A_37] : memref<4672x1024xf32, #tpu.memory_space<vmem>>, vector<128x1024xf32>
      %get3A_39 = arith.constant 0 : index
      %get3A_40 = arith.constant 0 : index
      %get3A_41 = arith.constant 0 : index
      %get3A_42 = vector.load %arg3[%get3A_39, %get3A_40, %get3A_41] : memref<1x1024x1024xf32, #tpu.memory_space<vmem>>, vector<1x1024x1024xf32>
      %get3A_43 = vector.shape_cast %get3A_42 : vector<1x1024x1024xf32> to vector<1024x1024xf32>
      %dot_general3A = arith.constant dense<0.000000e+00> : vector<128x1024xf32>
      %dot_general3A_44 = tpu.matmul %get3A_38, %get3A_43, %dot_general3A {dimension_numbers = #tpu.dot_dimension_numbers<[1], [1], [0], [0], [0, 0, 1, 0], [], []>, transpose_lhs_hint = false} : vector<128x1024xf32>, vector<1024x1024xf32>, vector<128x1024xf32> -> vector<128x1024xf32>
      %get3A_45 = arith.constant 0 : index
      %get3A_46 = arith.constant 0 : index
      %get3A_47 = arith.constant 0 : index
      %get3A_48 = vector.load %arg4[%get3A_45, %get3A_46, %get3A_47] : memref<1x1024x1024xf32, #tpu.memory_space<vmem>>, vector<1x1024x1024xf32>
      %get3A_49 = vector.shape_cast %get3A_48 : vector<1x1024x1024xf32> to vector<1024x1024xf32>
      %dot_general3A_50 = arith.constant dense<0.000000e+00> : vector<128x1024xf32>
      %dot_general3A_51 = tpu.matmul %get3A_38, %get3A_49, %dot_general3A_50 {dimension_numbers = #tpu.dot_dimension_numbers<[1], [1], [0], [0], [0, 0, 1, 0], [], []>, transpose_lhs_hint = false} : vector<128x1024xf32>, vector<1024x1024xf32>, vector<128x1024xf32> -> vector<128x1024xf32>
      %logistic3A = arith.negf %dot_general3A_44 : vector<128x1024xf32>
      %logistic3A_52 = math.exp %logistic3A : vector<128x1024xf32>
      %logistic3A_53 = arith.constant 1.000000e+00 : f32
      %logistic3A_54 = vector.broadcast %logistic3A_53 : f32 to vector<128x1024xf32>
      %logistic3A_55 = arith.addf %logistic3A_54, %logistic3A_52 : vector<128x1024xf32>
      %logistic3A_56 = arith.divf %logistic3A_54, %logistic3A_55 : vector<128x1024xf32>
      %mul3A_57 = arith.mulf %dot_general3A_44, %logistic3A_56 : vector<128x1024xf32>
      %mul3A_58 = arith.mulf %mul3A_57, %dot_general3A_51 : vector<128x1024xf32>
      %get3A_59 = arith.constant 0 : index
      %get3A_60 = arith.constant 0 : index
      %get3A_61 = arith.constant 0 : index
      %get3A_62 = vector.load %arg5[%get3A_59, %get3A_60, %get3A_61] : memref<1x1024x1024xf32, #tpu.memory_space<vmem>>, vector<1x1024x1024xf32>
      %get3A_63 = vector.shape_cast %get3A_62 : vector<1x1024x1024xf32> to vector<1024x1024xf32>
      %dot_general3A_64 = arith.constant dense<0.000000e+00> : vector<128x1024xf32>
      %dot_general3A_65 = tpu.matmul %mul3A_58, %get3A_63, %dot_general3A_64 {dimension_numbers = #tpu.dot_dimension_numbers<[1], [1], [0], [0], [0, 0, 1, 0], [], []>, transpose_lhs_hint = false} : vector<128x1024xf32>, vector<1024x1024xf32>, vector<128x1024xf32> -> vector<128x1024xf32>
      %swap3A = arith.index_cast %add3A_35 : i32 to index
      %swap3A_66 = arith.constant 0 : index
      %swap3A_67 = vector.load %arg6[%swap3A, %swap3A_66] : memref<4672x1024xf32, #tpu.memory_space<vmem>>, vector<128x1024xf32>
      tpu.vector_store %arg6[%swap3A, %swap3A_66], %dot_general3A_65 {strides = array<i32>} : memref<4672x1024xf32, #tpu.memory_space<vmem>>, vector<128x1024xf32>,
    }
    %while3A_32 = arith.constant 1 : i32
    scf.for %while3A_33 = %while3A_30 to %while3A_26 step %while3A_32  : i32 {
      %mul3A = arith.constant 128 : i32
      %mul3A_34 = arith.muli %while3A_33, %mul3A : i32
      %add3A_35 = arith.addi %multiple_of3A, %mul3A_34 : i32
      %get3A_36 = arith.index_cast %add3A_35 : i32 to index
      %get3A_37 = arith.constant 0 : index
      %get3A_38 = vector.load %arg2[%get3A_36, %get3A_37] : memref<4672x1024xf32, #tpu.memory_space<vmem>>, vector<128x1024xf32>
      %get3A_39 = arith.constant 0 : index
      %get3A_40 = arith.constant 0 : index
      %get3A_41 = arith.constant 0 : index
      %get3A_42 = vector.load %arg3[%get3A_39, %get3A_40, %get3A_41] : memref<1x1024x1024xf32, #tpu.memory_space<vmem>>, vector<1x1024x1024xf32>
      %get3A_43 = vector.shape_cast %get3A_42 : vector<1x1024x1024xf32> to vector<1024x1024xf32>
      %dot_general3A = arith.constant dense<0.000000e+00> : vector<128x1024xf32>
      %dot_general3A_44 = tpu.matmul %get3A_38, %get3A_43, %dot_general3A {dimension_numbers = #tpu.dot_dimension_numbers<[1], [1], [0], [0], [0, 0, 1, 0], [], []>, transpose_lhs_hint = false} : vector<128x1024xf32>, vector<1024x1024xf32>, vector<128x1024xf32> -> vector<128x1024xf32>
      %get3A_45 = arith.constant 0 : index
      %get3A_46 = arith.constant 0 : index
      %get3A_47 = arith.constant 0 : index
      %get3A_48 = vector.load %arg4[%get3A_45, %get3A_46, %get3A_47] : memref<1x1024x1024xf32, #tpu.memory_space<vmem>>, vector<1x1024x1024xf32>
      %get3A_49 = vector.shape_cast %get3A_48 : vector<1x1024x1024xf32> to vector<1024x1024xf32>
      %dot_general3A_50 = arith.constant dense<0.000000e+00> : vector<128x1024xf32>
      %dot_general3A_51 = tpu.matmul %get3A_38, %get3A_49, %dot_general3A_50 {dimension_numbers = #tpu.dot_dimension_numbers<[1], [1], [0], [0], [0, 0, 1, 0], [], []>, transpose_lhs_hint = false} : vector<128x1024xf32>, vector<1024x1024xf32>, vector<128x1024xf32> -> vector<128x1024xf32>
      %logistic3A = arith.negf %dot_general3A_44 : vector<128x1024xf32>
      %logistic3A_52 = math.exp %logistic3A : vector<128x1024xf32>
      %logistic3A_53 = arith.constant 1.000000e+00 : f32
      %logistic3A_54 = vector.broadcast %logistic3A_53 : f32 to vector<128x1024xf32>
      %logistic3A_55 = arith.addf %logistic3A_54, %logistic3A_52 : vector<128x1024xf32>
      %logistic3A_56 = arith.divf %logistic3A_54, %logistic3A_55 : vector<128x1024xf32>
      %mul3A_57 = arith.mulf %dot_general3A_44, %logistic3A_56 : vector<128x1024xf32>
      %mul3A_58 = arith.mulf %mul3A_57, %dot_general3A_51 : vector<128x1024xf32>
      %get3A_59 = arith.constant 0 : index
      %get3A_60 = arith.constant 0 : index
      %get3A_61 = arith.constant 0 : index
      %get3A_62 = vector.load %arg5[%get3A_59, %get3A_60, %get3A_61] : memref<1x1024x1024xf32, #tpu.memory_space<vmem>>, vector<1x1024x1024xf32>
      %get3A_63 = vector.shape_cast %get3A_62 : vector<1x1024x1024xf32> to vector<1024x1024xf32>
      %dot_general3A_64 = arith.constant dense<0.000000e+00> : vector<128x1024xf32>
      %dot_general3A_65 = tpu.matmul %mul3A_58, %get3A_63, %dot_general3A_64 {dimension_numbers = #tpu.dot_dimension_numbers<[1], [1], [0], [0], [0, 0, 1, 0], [], []>, transpose_lhs_hint = false} : vector<128x1024xf32>, vector<1024x1024xf32>, vector<128x1024xf32> -> vector<128x1024xf32>
      %swap3A = arith.index_cast %add3A_35 : i32 to index
      %swap3A_66 = arith.constant 0 : index
      %swap3A_67 = vector.load %arg6[%swap3A, %swap3A_66] : memref<4672x1024xf32, #tpu.memory_space<vmem>>, vector<128x1024xf32>
      tpu.vector_store %arg6[%swap3A, %swap3A_66], %dot_general3A_65 {strides = array<i32>} : memref<4672x1024xf32, #tpu.memory_space<vmem>>, vector<128x1024xf32>,
    }
    return
  }
  func.func @transform_0(%arg0: i32, %arg1: memref<128xi32, #tpu.memory_space<smem>>) -> (i32, i32) {
    %c0_i32 = arith.constant 0 : i32
    %c0_i32_0 = arith.constant 0 : i32
    %c0_i32_1 = arith.constant 0 : i32
    return %c0_i32, %c0_i32_0 : i32, i32
  }
  func.func @transform_1(%arg0: i32, %arg1: memref<128xi32, #tpu.memory_space<smem>>) -> (i32, i32, i32) {
    %c0_i32 = arith.constant 0 : i32
    %c0_i32_0 = arith.constant 0 : i32
    %c0_i32_1 = arith.constant 0 : i32
    return %arg0, %c0_i32, %c0_i32_0 : i32, i32, i32
  }
  func.func @transform_2(%arg0: i32, %arg1: memref<128xi32, #tpu.memory_space<smem>>) -> (i32, i32, i32) {
    %c0_i32 = arith.constant 0 : i32
    %c0_i32_0 = arith.constant 0 : i32
    %c0_i32_1 = arith.constant 0 : i32
    return %arg0, %c0_i32, %c0_i32_0 : i32, i32, i32
  }
  func.func @transform_3(%arg0: i32, %arg1: memref<128xi32, #tpu.memory_space<smem>>) -> (i32, i32, i32) {
    %c0_i32 = arith.constant 0 : i32
    %c0_i32_0 = arith.constant 0 : i32
    %c0_i32_1 = arith.constant 0 : i32
    return %arg0, %c0_i32, %c0_i32_0 : i32, i32, i32
  }
  func.func @transform_4(%arg0: i32, %arg1: memref<128xi32, #tpu.memory_space<smem>>) -> (i32, i32) {
    %c0_i32 = arith.constant 0 : i32
    %c0_i32_0 = arith.constant 0 : i32
    %c0_i32_1 = arith.constant 0 : i32
    return %c0_i32, %c0_i32_0 : i32, i32
  }
}

module attributes {stable_mosaic.version = 14 : i64} {
  func.func @_router_body(%arg0: memref<4096x1024xf32, #tpu.memory_space<vmem>>, %arg1: memref<64x1024xf32, #tpu.memory_space<vmem>>, %arg2: memref<4096x1xi32, #tpu.memory_space<vmem>>, %arg3: memref<8x64xi32, #tpu.memory_space<vmem>>) attributes {dimension_semantics = [], scalar_prefetch = 0 : i64, scratch_operands = 0 : i64, tpu.core_type = #tpu.core_type<tc>} {
    %get3A = arith.constant 0 : index
    %get3A_0 = arith.constant 0 : index
    %get3A_1 = vector.load %arg0[%get3A, %get3A_0] : memref<4096x1024xf32, #tpu.memory_space<vmem>>, vector<4096x1024xf32>
    %get3A_2 = arith.constant 0 : index
    %get3A_3 = arith.constant 0 : index
    %get3A_4 = vector.load %arg1[%get3A_2, %get3A_3] : memref<64x1024xf32, #tpu.memory_space<vmem>>, vector<64x1024xf32>
    %dot_general3A = arith.constant dense<0.000000e+00> : vector<4096x64xf32>
    %dot_general3A_5 = tpu.matmul %get3A_1, %get3A_4, %dot_general3A {dimension_numbers = #tpu.dot_dimension_numbers<[1], [1], [0], [0], [0, 0, 1, 0], [], []>, transpose_lhs_hint = false} : vector<4096x1024xf32>, vector<64x1024xf32>, vector<4096x64xf32> -> vector<4096x64xf32>
    %reduce_max3A = arith.constant dense<0xFF800000> : vector<4096xf32>
    %reduce_max3A_6 = vector.multi_reduction <maximumf>, %dot_general3A_5, %reduce_max3A [1] : vector<4096x64xf32> to vector<4096xf32>
    %broadcast_in_dim3A = vector.shape_cast %reduce_max3A_6 : vector<4096xf32> to vector<4096x1xf32>
    %iota3A = tpu.iota {dimensions = array<i32: 1>} : vector<4096x64xi32>
    %convert_element_type3A = arith.sitofp %iota3A : vector<4096x64xi32> to vector<4096x64xf32>
    %eq3A = vector.broadcast %broadcast_in_dim3A : vector<4096x1xf32> to vector<4096x64xf32>
    %eq3A_7 = arith.cmpf oeq, %dot_general3A_5, %eq3A : vector<4096x64xf32>
    %jit3A = arith.constant 6.400000e+01 : f32
    %broadcast_in_dim3A_8 = vector.broadcast %jit3A : f32 to vector<4096x64xf32>
    %select_n3A = arith.select %eq3A_7, %convert_element_type3A, %broadcast_in_dim3A_8 : vector<4096x64xi1>, vector<4096x64xf32>
    %reduce_min3A = arith.constant dense<0x7F800000> : vector<4096xf32>
    %reduce_min3A_9 = vector.multi_reduction <minimumf>, %select_n3A, %reduce_min3A [1] : vector<4096x64xf32> to vector<4096xf32>
    %broadcast_in_dim3A_10 = vector.shape_cast %reduce_min3A_9 : vector<4096xf32> to vector<4096x1xf32>
    %eq3A_11 = vector.broadcast %broadcast_in_dim3A_10 : vector<4096x1xf32> to vector<4096x64xf32>
    %eq3A_12 = arith.cmpf oeq, %convert_element_type3A, %eq3A_11 : vector<4096x64xf32>
    %convert_element_type3A_13 = arith.extui %eq3A_12 : vector<4096x64xi1> to vector<4096x64xi32>
    %convert_element_type3A_14 = arith.sitofp %convert_element_type3A_13 : vector<4096x64xi32> to vector<4096x64xf32>
    %reduce_sum3A = arith.constant dense<0.000000e+00> : vector<64xf32>
    %reduce_sum3A_15 = vector.multi_reduction <add>, %convert_element_type3A_14, %reduce_sum3A [0] : vector<4096x64xf32> to vector<64xf32>
    %broadcast_in_dim3A_16 = vector.shape_cast %reduce_sum3A_15 : vector<64xf32> to vector<1x64xf32>
    %div3A = arith.constant 8.000000e+00 : f32
    %div3A_17 = vector.broadcast %div3A : f32 to vector<1x64xf32>
    %div3A_18 = arith.divf %broadcast_in_dim3A_16, %div3A_17 : vector<1x64xf32>
    %ceil3A = math.ceil %div3A_18 : vector<1x64xf32>
    %mul3A = arith.constant 8.000000e+00 : f32
    %mul3A_19 = vector.broadcast %mul3A : f32 to vector<1x64xf32>
    %mul3A_20 = arith.mulf %ceil3A, %mul3A_19 : vector<1x64xf32>
    %iota3A_21 = tpu.iota {dimensions = array<i32: 0>} : vector<64x64xi32>
    %iota3A_22 = tpu.iota {dimensions = array<i32: 1>} : vector<64x64xi32>
    %lt3A = arith.cmpi slt, %iota3A_21, %iota3A_22 : vector<64x64xi32>
    %convert_element_type3A_23 = arith.extui %lt3A : vector<64x64xi1> to vector<64x64xi32>
    %convert_element_type3A_24 = arith.sitofp %convert_element_type3A_23 : vector<64x64xi32> to vector<64x64xf32>
    %dot_general3A_25 = arith.constant dense<0.000000e+00> : vector<1x64xf32>
    %dot_general3A_26 = tpu.matmul %mul3A_20, %convert_element_type3A_24, %dot_general3A_25 {dimension_numbers = #tpu.dot_dimension_numbers<[1], [0], [0], [1], [0, 0, 1, 1], [], []>, transpose_lhs_hint = false} : vector<1x64xf32>, vector<64x64xf32>, vector<1x64xf32> -> vector<1x64xf32>
    %slice3A = vector.extract_strided_slice %convert_element_type3A_14 {offsets = [0, 0], sizes = [512, 64], strides = [1, 1]} : vector<4096x64xf32> to vector<512x64xf32>
    %reduce_sum3A_27 = arith.constant dense<0.000000e+00> : vector<64xf32>
    %reduce_sum3A_28 = vector.multi_reduction <add>, %slice3A, %reduce_sum3A_27 [0] : vector<512x64xf32> to vector<64xf32>
    %broadcast_in_dim3A_29 = vector.shape_cast %reduce_sum3A_28 : vector<64xf32> to vector<1x64xf32>
    %slice3A_30 = vector.extract_strided_slice %convert_element_type3A_14 {offsets = [512, 0], sizes = [512, 64], strides = [1, 1]} : vector<4096x64xf32> to vector<512x64xf32>
    %reduce_sum3A_31 = arith.constant dense<0.000000e+00> : vector<64xf32>
    %reduce_sum3A_32 = vector.multi_reduction <add>, %slice3A_30, %reduce_sum3A_31 [0] : vector<512x64xf32> to vector<64xf32>
    %broadcast_in_dim3A_33 = vector.shape_cast %reduce_sum3A_32 : vector<64xf32> to vector<1x64xf32>
    %slice3A_34 = vector.extract_strided_slice %convert_element_type3A_14 {offsets = [1024, 0], sizes = [512, 64], strides = [1, 1]} : vector<4096x64xf32> to vector<512x64xf32>
    %reduce_sum3A_35 = arith.constant dense<0.000000e+00> : vector<64xf32>
    %reduce_sum3A_36 = vector.multi_reduction <add>, %slice3A_34, %reduce_sum3A_35 [0] : vector<512x64xf32> to vector<64xf32>
    %broadcast_in_dim3A_37 = vector.shape_cast %reduce_sum3A_36 : vector<64xf32> to vector<1x64xf32>
    %slice3A_38 = vector.extract_strided_slice %convert_element_type3A_14 {offsets = [1536, 0], sizes = [512, 64], strides = [1, 1]} : vector<4096x64xf32> to vector<512x64xf32>
    %reduce_sum3A_39 = arith.constant dense<0.000000e+00> : vector<64xf32>
    %reduce_sum3A_40 = vector.multi_reduction <add>, %slice3A_38, %reduce_sum3A_39 [0] : vector<512x64xf32> to vector<64xf32>
    %broadcast_in_dim3A_41 = vector.shape_cast %reduce_sum3A_40 : vector<64xf32> to vector<1x64xf32>
    %slice3A_42 = vector.extract_strided_slice %convert_element_type3A_14 {offsets = [2048, 0], sizes = [512, 64], strides = [1, 1]} : vector<4096x64xf32> to vector<512x64xf32>
    %reduce_sum3A_43 = arith.constant dense<0.000000e+00> : vector<64xf32>
    %reduce_sum3A_44 = vector.multi_reduction <add>, %slice3A_42, %reduce_sum3A_43 [0] : vector<512x64xf32> to vector<64xf32>
    %broadcast_in_dim3A_45 = vector.shape_cast %reduce_sum3A_44 : vector<64xf32> to vector<1x64xf32>
    %slice3A_46 = vector.extract_strided_slice %convert_element_type3A_14 {offsets = [2560, 0], sizes = [512, 64], strides = [1, 1]} : vector<4096x64xf32> to vector<512x64xf32>
    %reduce_sum3A_47 = arith.constant dense<0.000000e+00> : vector<64xf32>
    %reduce_sum3A_48 = vector.multi_reduction <add>, %slice3A_46, %reduce_sum3A_47 [0] : vector<512x64xf32> to vector<64xf32>
    %broadcast_in_dim3A_49 = vector.shape_cast %reduce_sum3A_48 : vector<64xf32> to vector<1x64xf32>
    %slice3A_50 = vector.extract_strided_slice %convert_element_type3A_14 {offsets = [3072, 0], sizes = [512, 64], strides = [1, 1]} : vector<4096x64xf32> to vector<512x64xf32>
    %reduce_sum3A_51 = arith.constant dense<0.000000e+00> : vector<64xf32>
    %reduce_sum3A_52 = vector.multi_reduction <add>, %slice3A_50, %reduce_sum3A_51 [0] : vector<512x64xf32> to vector<64xf32>
    %broadcast_in_dim3A_53 = vector.shape_cast %reduce_sum3A_52 : vector<64xf32> to vector<1x64xf32>
    %slice3A_54 = vector.extract_strided_slice %convert_element_type3A_14 {offsets = [3584, 0], sizes = [512, 64], strides = [1, 1]} : vector<4096x64xf32> to vector<512x64xf32>
    %reduce_sum3A_55 = arith.constant dense<0.000000e+00> : vector<64xf32>
    %reduce_sum3A_56 = vector.multi_reduction <add>, %slice3A_54, %reduce_sum3A_55 [0] : vector<512x64xf32> to vector<64xf32>
    %broadcast_in_dim3A_57 = vector.shape_cast %reduce_sum3A_56 : vector<64xf32> to vector<1x64xf32>
    %concatenate3A = tpu.concatenate %broadcast_in_dim3A_29, %broadcast_in_dim3A_33, %broadcast_in_dim3A_37, %broadcast_in_dim3A_41, %broadcast_in_dim3A_45, %broadcast_in_dim3A_49, %broadcast_in_dim3A_53, %broadcast_in_dim3A_57 in 0 : vector<1x64xf32>, vector<1x64xf32>, vector<1x64xf32>, vector<1x64xf32>, vector<1x64xf32>, vector<1x64xf32>, vector<1x64xf32>, vector<1x64xf32> -> vector<8x64xf32>
    %iota3A_58 = tpu.iota {dimensions = array<i32: 0>} : vector<8x8xi32>
    %iota3A_59 = tpu.iota {dimensions = array<i32: 1>} : vector<8x8xi32>
    %lt3A_60 = arith.cmpi slt, %iota3A_59, %iota3A_58 : vector<8x8xi32>
    %convert_element_type3A_61 = arith.extui %lt3A_60 : vector<8x8xi1> to vector<8x8xi32>
    %convert_element_type3A_62 = arith.sitofp %convert_element_type3A_61 : vector<8x8xi32> to vector<8x8xf32>
    %dot_general3A_63 = arith.constant dense<0.000000e+00> : vector<8x64xf32>
    %dot_general3A_64 = tpu.matmul %convert_element_type3A_62, %concatenate3A, %dot_general3A_63 {dimension_numbers = #tpu.dot_dimension_numbers<[1], [0], [0], [1], [0, 0, 1, 1], [], []>, transpose_lhs_hint = false} : vector<8x8xf32>, vector<8x64xf32>, vector<8x64xf32> -> vector<8x64xf32>
    %iota3A_65 = tpu.iota {dimensions = array<i32: 1>} : vector<512x512xi32>
    %iota3A_66 = tpu.iota {dimensions = array<i32: 0>} : vector<512x512xi32>
    %lt3A_67 = arith.cmpi slt, %iota3A_65, %iota3A_66 : vector<512x512xi32>
    %convert_element_type3A_68 = arith.extui %lt3A_67 : vector<512x512xi1> to vector<512x512xi32>
    %convert_element_type3A_69 = arith.sitofp %convert_element_type3A_68 : vector<512x512xi32> to vector<512x512xf32>
    %slice3A_70 = vector.extract_strided_slice %convert_element_type3A_14 {offsets = [0, 0], sizes = [512, 64], strides = [1, 1]} : vector<4096x64xf32> to vector<512x64xf32>
    %dot_general3A_71 = arith.constant dense<0.000000e+00> : vector<512x512xf32>
    %dot_general3A_72 = tpu.matmul %slice3A_70, %slice3A_70, %dot_general3A_71 {dimension_numbers = #tpu.dot_dimension_numbers<[1], [1], [0], [0], [0, 0, 1, 0], [], []>, transpose_lhs_hint = false} : vector<512x64xf32>, vector<512x64xf32>, vector<512x512xf32> -> vector<512x512xf32>
    %mul3A_73 = arith.mulf %dot_general3A_72, %convert_element_type3A_69 : vector<512x512xf32>
    %reduce_sum3A_74 = arith.constant dense<0.000000e+00> : vector<512xf32>
    %reduce_sum3A_75 = vector.multi_reduction <add>, %mul3A_73, %reduce_sum3A_74 [1] : vector<512x512xf32> to vector<512xf32>
    %broadcast_in_dim3A_76 = vector.shape_cast %reduce_sum3A_75 : vector<512xf32> to vector<512x1xf32>
    %slice3A_77 = vector.extract_strided_slice %dot_general3A_64 {offsets = [0, 0], sizes = [1, 64], strides = [1, 1]} : vector<8x64xf32> to vector<1x64xf32>
    %add3A = arith.addf %dot_general3A_26, %slice3A_77 : vector<1x64xf32>
    %mul3A_78 = vector.broadcast %add3A : vector<1x64xf32> to vector<512x64xf32>
    %mul3A_79 = arith.mulf %slice3A_70, %mul3A_78 : vector<512x64xf32>
    %reduce_sum3A_80 = arith.constant dense<0.000000e+00> : vector<512xf32>
    %reduce_sum3A_81 = vector.multi_reduction <add>, %mul3A_79, %reduce_sum3A_80 [1] : vector<512x64xf32> to vector<512xf32>
    %broadcast_in_dim3A_82 = vector.shape_cast %reduce_sum3A_81 : vector<512xf32> to vector<512x1xf32>
    %add3A_83 = arith.addf %broadcast_in_dim3A_82, %broadcast_in_dim3A_76 : vector<512x1xf32>
    %convert_element_type3A_84 = arith.fptosi %add3A_83 : vector<512x1xf32> to vector<512x1xi32>
    %swap3A = arith.constant 0 : index
    %swap3A_85 = arith.constant 0 : index
    %swap3A_86 = vector.load %arg2[%swap3A, %swap3A_85] : memref<4096x1xi32, #tpu.memory_space<vmem>>, vector<512x1xi32>
    tpu.vector_store %arg2[%swap3A, %swap3A_85], %convert_element_type3A_84 {strides = array<i32>} : memref<4096x1xi32, #tpu.memory_space<vmem>>, vector<512x1xi32>,
    %slice3A_87 = vector.extract_strided_slice %convert_element_type3A_14 {offsets = [512, 0], sizes = [512, 64], strides = [1, 1]} : vector<4096x64xf32> to vector<512x64xf32>
    %dot_general3A_88 = arith.constant dense<0.000000e+00> : vector<512x512xf32>
    %dot_general3A_89 = tpu.matmul %slice3A_87, %slice3A_87, %dot_general3A_88 {dimension_numbers = #tpu.dot_dimension_numbers<[1], [1], [0], [0], [0, 0, 1, 0], [], []>, transpose_lhs_hint = false} : vector<512x64xf32>, vector<512x64xf32>, vector<512x512xf32> -> vector<512x512xf32>
    %mul3A_90 = arith.mulf %dot_general3A_89, %convert_element_type3A_69 : vector<512x512xf32>
    %reduce_sum3A_91 = arith.constant dense<0.000000e+00> : vector<512xf32>
    %reduce_sum3A_92 = vector.multi_reduction <add>, %mul3A_90, %reduce_sum3A_91 [1] : vector<512x512xf32> to vector<512xf32>
    %broadcast_in_dim3A_93 = vector.shape_cast %reduce_sum3A_92 : vector<512xf32> to vector<512x1xf32>
    %slice3A_94 = vector.extract_strided_slice %dot_general3A_64 {offsets = [1, 0], sizes = [1, 64], strides = [1, 1]} : vector<8x64xf32> to vector<1x64xf32>
    %add3A_95 = arith.addf %dot_general3A_26, %slice3A_94 : vector<1x64xf32>
    %mul3A_96 = vector.broadcast %add3A_95 : vector<1x64xf32> to vector<512x64xf32>
    %mul3A_97 = arith.mulf %slice3A_87, %mul3A_96 : vector<512x64xf32>
    %reduce_sum3A_98 = arith.constant dense<0.000000e+00> : vector<512xf32>
    %reduce_sum3A_99 = vector.multi_reduction <add>, %mul3A_97, %reduce_sum3A_98 [1] : vector<512x64xf32> to vector<512xf32>
    %broadcast_in_dim3A_100 = vector.shape_cast %reduce_sum3A_99 : vector<512xf32> to vector<512x1xf32>
    %add3A_101 = arith.addf %broadcast_in_dim3A_100, %broadcast_in_dim3A_93 : vector<512x1xf32>
    %convert_element_type3A_102 = arith.fptosi %add3A_101 : vector<512x1xf32> to vector<512x1xi32>
    %swap3A_103 = arith.constant 512 : index
    %swap3A_104 = arith.constant 0 : index
    %swap3A_105 = vector.load %arg2[%swap3A_103, %swap3A_104] : memref<4096x1xi32, #tpu.memory_space<vmem>>, vector<512x1xi32>
    tpu.vector_store %arg2[%swap3A_103, %swap3A_104], %convert_element_type3A_102 {strides = array<i32>} : memref<4096x1xi32, #tpu.memory_space<vmem>>, vector<512x1xi32>,
    %slice3A_106 = vector.extract_strided_slice %convert_element_type3A_14 {offsets = [1024, 0], sizes = [512, 64], strides = [1, 1]} : vector<4096x64xf32> to vector<512x64xf32>
    %dot_general3A_107 = arith.constant dense<0.000000e+00> : vector<512x512xf32>
    %dot_general3A_108 = tpu.matmul %slice3A_106, %slice3A_106, %dot_general3A_107 {dimension_numbers = #tpu.dot_dimension_numbers<[1], [1], [0], [0], [0, 0, 1, 0], [], []>, transpose_lhs_hint = false} : vector<512x64xf32>, vector<512x64xf32>, vector<512x512xf32> -> vector<512x512xf32>
    %mul3A_109 = arith.mulf %dot_general3A_108, %convert_element_type3A_69 : vector<512x512xf32>
    %reduce_sum3A_110 = arith.constant dense<0.000000e+00> : vector<512xf32>
    %reduce_sum3A_111 = vector.multi_reduction <add>, %mul3A_109, %reduce_sum3A_110 [1] : vector<512x512xf32> to vector<512xf32>
    %broadcast_in_dim3A_112 = vector.shape_cast %reduce_sum3A_111 : vector<512xf32> to vector<512x1xf32>
    %slice3A_113 = vector.extract_strided_slice %dot_general3A_64 {offsets = [2, 0], sizes = [1, 64], strides = [1, 1]} : vector<8x64xf32> to vector<1x64xf32>
    %add3A_114 = arith.addf %dot_general3A_26, %slice3A_113 : vector<1x64xf32>
    %mul3A_115 = vector.broadcast %add3A_114 : vector<1x64xf32> to vector<512x64xf32>
    %mul3A_116 = arith.mulf %slice3A_106, %mul3A_115 : vector<512x64xf32>
    %reduce_sum3A_117 = arith.constant dense<0.000000e+00> : vector<512xf32>
    %reduce_sum3A_118 = vector.multi_reduction <add>, %mul3A_116, %reduce_sum3A_117 [1] : vector<512x64xf32> to vector<512xf32>
    %broadcast_in_dim3A_119 = vector.shape_cast %reduce_sum3A_118 : vector<512xf32> to vector<512x1xf32>
    %add3A_120 = arith.addf %broadcast_in_dim3A_119, %broadcast_in_dim3A_112 : vector<512x1xf32>
    %convert_element_type3A_121 = arith.fptosi %add3A_120 : vector<512x1xf32> to vector<512x1xi32>
    %swap3A_122 = arith.constant 1024 : index
    %swap3A_123 = arith.constant 0 : index
    %swap3A_124 = vector.load %arg2[%swap3A_122, %swap3A_123] : memref<4096x1xi32, #tpu.memory_space<vmem>>, vector<512x1xi32>
    tpu.vector_store %arg2[%swap3A_122, %swap3A_123], %convert_element_type3A_121 {strides = array<i32>} : memref<4096x1xi32, #tpu.memory_space<vmem>>, vector<512x1xi32>,
    %slice3A_125 = vector.extract_strided_slice %convert_element_type3A_14 {offsets = [1536, 0], sizes = [512, 64], strides = [1, 1]} : vector<4096x64xf32> to vector<512x64xf32>
    %dot_general3A_126 = arith.constant dense<0.000000e+00> : vector<512x512xf32>
    %dot_general3A_127 = tpu.matmul %slice3A_125, %slice3A_125, %dot_general3A_126 {dimension_numbers = #tpu.dot_dimension_numbers<[1], [1], [0], [0], [0, 0, 1, 0], [], []>, transpose_lhs_hint = false} : vector<512x64xf32>, vector<512x64xf32>, vector<512x512xf32> -> vector<512x512xf32>
    %mul3A_128 = arith.mulf %dot_general3A_127, %convert_element_type3A_69 : vector<512x512xf32>
    %reduce_sum3A_129 = arith.constant dense<0.000000e+00> : vector<512xf32>
    %reduce_sum3A_130 = vector.multi_reduction <add>, %mul3A_128, %reduce_sum3A_129 [1] : vector<512x512xf32> to vector<512xf32>
    %broadcast_in_dim3A_131 = vector.shape_cast %reduce_sum3A_130 : vector<512xf32> to vector<512x1xf32>
    %slice3A_132 = vector.extract_strided_slice %dot_general3A_64 {offsets = [3, 0], sizes = [1, 64], strides = [1, 1]} : vector<8x64xf32> to vector<1x64xf32>
    %add3A_133 = arith.addf %dot_general3A_26, %slice3A_132 : vector<1x64xf32>
    %mul3A_134 = vector.broadcast %add3A_133 : vector<1x64xf32> to vector<512x64xf32>
    %mul3A_135 = arith.mulf %slice3A_125, %mul3A_134 : vector<512x64xf32>
    %reduce_sum3A_136 = arith.constant dense<0.000000e+00> : vector<512xf32>
    %reduce_sum3A_137 = vector.multi_reduction <add>, %mul3A_135, %reduce_sum3A_136 [1] : vector<512x64xf32> to vector<512xf32>
    %broadcast_in_dim3A_138 = vector.shape_cast %reduce_sum3A_137 : vector<512xf32> to vector<512x1xf32>
    %add3A_139 = arith.addf %broadcast_in_dim3A_138, %broadcast_in_dim3A_131 : vector<512x1xf32>
    %convert_element_type3A_140 = arith.fptosi %add3A_139 : vector<512x1xf32> to vector<512x1xi32>
    %swap3A_141 = arith.constant 1536 : index
    %swap3A_142 = arith.constant 0 : index
    %swap3A_143 = vector.load %arg2[%swap3A_141, %swap3A_142] : memref<4096x1xi32, #tpu.memory_space<vmem>>, vector<512x1xi32>
    tpu.vector_store %arg2[%swap3A_141, %swap3A_142], %convert_element_type3A_140 {strides = array<i32>} : memref<4096x1xi32, #tpu.memory_space<vmem>>, vector<512x1xi32>,
    %slice3A_144 = vector.extract_strided_slice %convert_element_type3A_14 {offsets = [2048, 0], sizes = [512, 64], strides = [1, 1]} : vector<4096x64xf32> to vector<512x64xf32>
    %dot_general3A_145 = arith.constant dense<0.000000e+00> : vector<512x512xf32>
    %dot_general3A_146 = tpu.matmul %slice3A_144, %slice3A_144, %dot_general3A_145 {dimension_numbers = #tpu.dot_dimension_numbers<[1], [1], [0], [0], [0, 0, 1, 0], [], []>, transpose_lhs_hint = false} : vector<512x64xf32>, vector<512x64xf32>, vector<512x512xf32> -> vector<512x512xf32>
    %mul3A_147 = arith.mulf %dot_general3A_146, %convert_element_type3A_69 : vector<512x512xf32>
    %reduce_sum3A_148 = arith.constant dense<0.000000e+00> : vector<512xf32>
    %reduce_sum3A_149 = vector.multi_reduction <add>, %mul3A_147, %reduce_sum3A_148 [1] : vector<512x512xf32> to vector<512xf32>
    %broadcast_in_dim3A_150 = vector.shape_cast %reduce_sum3A_149 : vector<512xf32> to vector<512x1xf32>
    %slice3A_151 = vector.extract_strided_slice %dot_general3A_64 {offsets = [4, 0], sizes = [1, 64], strides = [1, 1]} : vector<8x64xf32> to vector<1x64xf32>
    %add3A_152 = arith.addf %dot_general3A_26, %slice3A_151 : vector<1x64xf32>
    %mul3A_153 = vector.broadcast %add3A_152 : vector<1x64xf32> to vector<512x64xf32>
    %mul3A_154 = arith.mulf %slice3A_144, %mul3A_153 : vector<512x64xf32>
    %reduce_sum3A_155 = arith.constant dense<0.000000e+00> : vector<512xf32>
    %reduce_sum3A_156 = vector.multi_reduction <add>, %mul3A_154, %reduce_sum3A_155 [1] : vector<512x64xf32> to vector<512xf32>
    %broadcast_in_dim3A_157 = vector.shape_cast %reduce_sum3A_156 : vector<512xf32> to vector<512x1xf32>
    %add3A_158 = arith.addf %broadcast_in_dim3A_157, %broadcast_in_dim3A_150 : vector<512x1xf32>
    %convert_element_type3A_159 = arith.fptosi %add3A_158 : vector<512x1xf32> to vector<512x1xi32>
    %swap3A_160 = arith.constant 2048 : index
    %swap3A_161 = arith.constant 0 : index
    %swap3A_162 = vector.load %arg2[%swap3A_160, %swap3A_161] : memref<4096x1xi32, #tpu.memory_space<vmem>>, vector<512x1xi32>
    tpu.vector_store %arg2[%swap3A_160, %swap3A_161], %convert_element_type3A_159 {strides = array<i32>} : memref<4096x1xi32, #tpu.memory_space<vmem>>, vector<512x1xi32>,
    %slice3A_163 = vector.extract_strided_slice %convert_element_type3A_14 {offsets = [2560, 0], sizes = [512, 64], strides = [1, 1]} : vector<4096x64xf32> to vector<512x64xf32>
    %dot_general3A_164 = arith.constant dense<0.000000e+00> : vector<512x512xf32>
    %dot_general3A_165 = tpu.matmul %slice3A_163, %slice3A_163, %dot_general3A_164 {dimension_numbers = #tpu.dot_dimension_numbers<[1], [1], [0], [0], [0, 0, 1, 0], [], []>, transpose_lhs_hint = false} : vector<512x64xf32>, vector<512x64xf32>, vector<512x512xf32> -> vector<512x512xf32>
    %mul3A_166 = arith.mulf %dot_general3A_165, %convert_element_type3A_69 : vector<512x512xf32>
    %reduce_sum3A_167 = arith.constant dense<0.000000e+00> : vector<512xf32>
    %reduce_sum3A_168 = vector.multi_reduction <add>, %mul3A_166, %reduce_sum3A_167 [1] : vector<512x512xf32> to vector<512xf32>
    %broadcast_in_dim3A_169 = vector.shape_cast %reduce_sum3A_168 : vector<512xf32> to vector<512x1xf32>
    %slice3A_170 = vector.extract_strided_slice %dot_general3A_64 {offsets = [5, 0], sizes = [1, 64], strides = [1, 1]} : vector<8x64xf32> to vector<1x64xf32>
    %add3A_171 = arith.addf %dot_general3A_26, %slice3A_170 : vector<1x64xf32>
    %mul3A_172 = vector.broadcast %add3A_171 : vector<1x64xf32> to vector<512x64xf32>
    %mul3A_173 = arith.mulf %slice3A_163, %mul3A_172 : vector<512x64xf32>
    %reduce_sum3A_174 = arith.constant dense<0.000000e+00> : vector<512xf32>
    %reduce_sum3A_175 = vector.multi_reduction <add>, %mul3A_173, %reduce_sum3A_174 [1] : vector<512x64xf32> to vector<512xf32>
    %broadcast_in_dim3A_176 = vector.shape_cast %reduce_sum3A_175 : vector<512xf32> to vector<512x1xf32>
    %add3A_177 = arith.addf %broadcast_in_dim3A_176, %broadcast_in_dim3A_169 : vector<512x1xf32>
    %convert_element_type3A_178 = arith.fptosi %add3A_177 : vector<512x1xf32> to vector<512x1xi32>
    %swap3A_179 = arith.constant 2560 : index
    %swap3A_180 = arith.constant 0 : index
    %swap3A_181 = vector.load %arg2[%swap3A_179, %swap3A_180] : memref<4096x1xi32, #tpu.memory_space<vmem>>, vector<512x1xi32>
    tpu.vector_store %arg2[%swap3A_179, %swap3A_180], %convert_element_type3A_178 {strides = array<i32>} : memref<4096x1xi32, #tpu.memory_space<vmem>>, vector<512x1xi32>,
    %slice3A_182 = vector.extract_strided_slice %convert_element_type3A_14 {offsets = [3072, 0], sizes = [512, 64], strides = [1, 1]} : vector<4096x64xf32> to vector<512x64xf32>
    %dot_general3A_183 = arith.constant dense<0.000000e+00> : vector<512x512xf32>
    %dot_general3A_184 = tpu.matmul %slice3A_182, %slice3A_182, %dot_general3A_183 {dimension_numbers = #tpu.dot_dimension_numbers<[1], [1], [0], [0], [0, 0, 1, 0], [], []>, transpose_lhs_hint = false} : vector<512x64xf32>, vector<512x64xf32>, vector<512x512xf32> -> vector<512x512xf32>
    %mul3A_185 = arith.mulf %dot_general3A_184, %convert_element_type3A_69 : vector<512x512xf32>
    %reduce_sum3A_186 = arith.constant dense<0.000000e+00> : vector<512xf32>
    %reduce_sum3A_187 = vector.multi_reduction <add>, %mul3A_185, %reduce_sum3A_186 [1] : vector<512x512xf32> to vector<512xf32>
    %broadcast_in_dim3A_188 = vector.shape_cast %reduce_sum3A_187 : vector<512xf32> to vector<512x1xf32>
    %slice3A_189 = vector.extract_strided_slice %dot_general3A_64 {offsets = [6, 0], sizes = [1, 64], strides = [1, 1]} : vector<8x64xf32> to vector<1x64xf32>
    %add3A_190 = arith.addf %dot_general3A_26, %slice3A_189 : vector<1x64xf32>
    %mul3A_191 = vector.broadcast %add3A_190 : vector<1x64xf32> to vector<512x64xf32>
    %mul3A_192 = arith.mulf %slice3A_182, %mul3A_191 : vector<512x64xf32>
    %reduce_sum3A_193 = arith.constant dense<0.000000e+00> : vector<512xf32>
    %reduce_sum3A_194 = vector.multi_reduction <add>, %mul3A_192, %reduce_sum3A_193 [1] : vector<512x64xf32> to vector<512xf32>
    %broadcast_in_dim3A_195 = vector.shape_cast %reduce_sum3A_194 : vector<512xf32> to vector<512x1xf32>
    %add3A_196 = arith.addf %broadcast_in_dim3A_195, %broadcast_in_dim3A_188 : vector<512x1xf32>
    %convert_element_type3A_197 = arith.fptosi %add3A_196 : vector<512x1xf32> to vector<512x1xi32>
    %swap3A_198 = arith.constant 3072 : index
    %swap3A_199 = arith.constant 0 : index
    %swap3A_200 = vector.load %arg2[%swap3A_198, %swap3A_199] : memref<4096x1xi32, #tpu.memory_space<vmem>>, vector<512x1xi32>
    tpu.vector_store %arg2[%swap3A_198, %swap3A_199], %convert_element_type3A_197 {strides = array<i32>} : memref<4096x1xi32, #tpu.memory_space<vmem>>, vector<512x1xi32>,
    %slice3A_201 = vector.extract_strided_slice %convert_element_type3A_14 {offsets = [3584, 0], sizes = [512, 64], strides = [1, 1]} : vector<4096x64xf32> to vector<512x64xf32>
    %dot_general3A_202 = arith.constant dense<0.000000e+00> : vector<512x512xf32>
    %dot_general3A_203 = tpu.matmul %slice3A_201, %slice3A_201, %dot_general3A_202 {dimension_numbers = #tpu.dot_dimension_numbers<[1], [1], [0], [0], [0, 0, 1, 0], [], []>, transpose_lhs_hint = false} : vector<512x64xf32>, vector<512x64xf32>, vector<512x512xf32> -> vector<512x512xf32>
    %mul3A_204 = arith.mulf %dot_general3A_203, %convert_element_type3A_69 : vector<512x512xf32>
    %reduce_sum3A_205 = arith.constant dense<0.000000e+00> : vector<512xf32>
    %reduce_sum3A_206 = vector.multi_reduction <add>, %mul3A_204, %reduce_sum3A_205 [1] : vector<512x512xf32> to vector<512xf32>
    %broadcast_in_dim3A_207 = vector.shape_cast %reduce_sum3A_206 : vector<512xf32> to vector<512x1xf32>
    %slice3A_208 = vector.extract_strided_slice %dot_general3A_64 {offsets = [7, 0], sizes = [1, 64], strides = [1, 1]} : vector<8x64xf32> to vector<1x64xf32>
    %add3A_209 = arith.addf %dot_general3A_26, %slice3A_208 : vector<1x64xf32>
    %mul3A_210 = vector.broadcast %add3A_209 : vector<1x64xf32> to vector<512x64xf32>
    %mul3A_211 = arith.mulf %slice3A_201, %mul3A_210 : vector<512x64xf32>
    %reduce_sum3A_212 = arith.constant dense<0.000000e+00> : vector<512xf32>
    %reduce_sum3A_213 = vector.multi_reduction <add>, %mul3A_211, %reduce_sum3A_212 [1] : vector<512x64xf32> to vector<512xf32>
    %broadcast_in_dim3A_214 = vector.shape_cast %reduce_sum3A_213 : vector<512xf32> to vector<512x1xf32>
    %add3A_215 = arith.addf %broadcast_in_dim3A_214, %broadcast_in_dim3A_207 : vector<512x1xf32>
    %convert_element_type3A_216 = arith.fptosi %add3A_215 : vector<512x1xf32> to vector<512x1xi32>
    %swap3A_217 = arith.constant 3584 : index
    %swap3A_218 = arith.constant 0 : index
    %swap3A_219 = vector.load %arg2[%swap3A_217, %swap3A_218] : memref<4096x1xi32, #tpu.memory_space<vmem>>, vector<512x1xi32>
    tpu.vector_store %arg2[%swap3A_217, %swap3A_218], %convert_element_type3A_216 {strides = array<i32>} : memref<4096x1xi32, #tpu.memory_space<vmem>>, vector<512x1xi32>,
    %convert_element_type3A_220 = arith.fptosi %dot_general3A_26 : vector<1x64xf32> to vector<1x64xi32>
    %convert_element_type3A_221 = arith.fptosi %broadcast_in_dim3A_16 : vector<1x64xf32> to vector<1x64xi32>
    %broadcast_in_dim3A_222 = arith.constant 0 : i32
    %broadcast_in_dim3A_223 = vector.broadcast %broadcast_in_dim3A_222 : i32 to vector<6x64xi32>
    %concatenate3A_224 = tpu.concatenate %convert_element_type3A_220, %convert_element_type3A_221, %broadcast_in_dim3A_223 in 0 : vector<1x64xi32>, vector<1x64xi32>, vector<6x64xi32> -> vector<8x64xi32>
    %swap3A_225 = arith.constant 0 : index
    %swap3A_226 = arith.constant 0 : index
    %swap3A_227 = vector.load %arg3[%swap3A_225, %swap3A_226] : memref<8x64xi32, #tpu.memory_space<vmem>>, vector<8x64xi32>
    tpu.vector_store %arg3[%swap3A_225, %swap3A_226], %concatenate3A_224 {strides = array<i32>} : memref<8x64xi32, #tpu.memory_space<vmem>>, vector<8x64xi32>,
    return
  }
}

</mosaic_0001>

<sc_bundles>
// kernel: kernel.6.cloned.1.call-start
scs
__scs_entry_jumppad:
0x0: {  	(pc) =	sbr.rel $0x88, $3  }
0x1: {  	(tag) =	ssettag $0x0;
	lr =	simm.s32 $0x1  }
0x2: {  	[smem:$0x3F9C] =	sst lr;
	_ =	strace $0xD0000000  }
0x3: {  	_ = 	snop  }
0x4: {  	_ = 	snop  }
0x5: {  	_ = 	snop  }
0x6: {  	_ = 	snop  }
0x7: {  	_ = 	snop  }
__scs_overlays_trampoline_lowered:
0x8: {  	[smem:$0x3FAB] =	sst s0  }
0x9: {  	[smem:$0x3FAC] =	sst s1  }
0xa: {  	[smem:$0x3FAD] =	sst s2  }
0xb: {  	[smem:$0x3FAE] =	sst s3  }
0xc: {  	[smem:$0x3FAF] =	sst s4  }
0xd: {  	[smem:$0x3FB0] =	sst s5  }
0xe: {  	[smem:$0x3FB1] =	sst s6  }
0xf: {  	[smem:$0x3FB2] =	sst s7  }
0x10: {  	[smem:$0x3FB3] =	sst s8  }
0x11: {  	[smem:$0x3FB4] =	sst s9;
	s0 =	simm.s32 @!p0 $0x0  }
0x12: {  	s1 =	sld [smem:$0x3F9A];
	s0 =	simm.s32 @p0 $0x1  }
0x13: {  	[smem:$0x3FB5] =	sst s0;
	s0 =	simm.s32 @!p1 $0x0  }
0x14: {  	s2 =	sld [smem:$0x3F99];
	s0 =	simm.s32 @p1 $0x1  }
0x15: {  	[smem:$0x3FB6] =	sst s0;
	s0 =	simm.s32 @!p2 $0x0  }
0x16: {  	s3 =	sld [smem:$0x3FDB];
	s0 =	simm.s32 @p2 $0x1  }
0x17: {  	s4 =	simm.s32 $0x1BF5;
	[smem:$0x3FB8] =	sst s0  }
0x18: {  	s0 =	sld [smem:$0x3F9B];
	_ =	swait.ge [sflag:s4], $0x0  }
0x19: {  	s7 =	sld [smem:$0x3F9C]  }
0x1a: {  	s8 =	sadd.s32 $0xFFFFE003, lr  }
0x1b: {  	s9 =	sadd.s32 $0xFFFFFEF7, lr;
	s5 =	simm.s32 $0xFFFFFFFF;
	p2 =	slt.u32 s8, $0xFFFFF086  }
0x1c: {  	p1 =	slt.u32 s9, $0xF7A;
	s5 =	simm.s32 @!p2 $0x0  }
0x1d: {  	s5 =	simm.s32 @p1 $0x1;
	p0 =	seq.s32 s7, s2  }
0x1e: {  	s7 =	smul.u32 @!p0 $0xF7A, s2;
	p2 =	seq.s32 @!p0 s5, $0x0  }
0x1f: {  	s9 =	smul.u32 $0xF7A, s1;
	s8 =	simm.s32 @!p0 $0x1BF5;
	p2 =	por !p2, p0  }
0x20: {  	[sflag:s8] =	ssyncset.s32 @!p0 $0xFFFFF086;
	s6 =	sadd.s32 @!p0 s3, s7;
	s7 =	simm.s32 @!p0 $0x108  }
0x21: {  	s3 =	sadd.s32 s3, s9;
	s6 =	sadd.s32 @!p0 $0x88, s6;
	s7 =	simm.s32 @p2 $0x1082  }
0x22: {  	[simem:s7], [sflag:s8] =	dma.local @!p0 [hbm:s6], $0xF7A  }
0x23: {  	s9 =	sor.u32 $0xD0000000, s2;
	s6 =	simm.s32 $0x108;
	_ =	swait.ge @!p0 [sflag:s8], $0x0  }
0x24: {  	s3 =	sadd.s32 $0x88, s3;
	s6 =	simm.s32 @!p1 $0x1082;
	[sflag:s4] =	ssyncset.s32 $0xFFFFF086  }
0x25: {  	[simem:s6], [sflag:s4] =	dma.local [hbm:s3], $0xF7A  }
0x26: {  	[smem:$0x3F9C] =	sst s1;
	(tag) =	ssettag s2;
	_ =	strace s9  }
0x27: {  	s1 =	sld [smem:$0x3FAC]  }
0x28: {  	s2 =	sld [smem:$0x3FAD]  }
0x29: {  	s4 =	sld [smem:$0x3FAF]  }
0x2a: {  	p0 =	seq.s32 s5, $0x0;
	s5 =	sld [smem:$0x3FB0]  }
0x2b: {  	s6 =	sld [smem:$0x3FB1]  }
0x2c: {  	s7 =	sld [smem:$0x3FB2]  }
0x2d: {  	s3 =	simm.s32 $0x108;
	s8 =	sld [smem:$0x3FB3]  }
0x2e: {  	s3 =	simm.s32 @!p0 $0x1082;
	s9 =	sld [smem:$0x3FB4]  }
0x2f: {  	lr =	sadd.s32 s0, s3;
	s0 =	sld [smem:$0x3FAB]  }
0x30: {  	s3 =	sld [smem:$0x3FAE]  }
0x31: {  	[smem:$0x3FB7] =	sst s10  }
0x32: {  	s10 =	sld [smem:$0x3FB5];
	_ =	sdelay $0x3  }
0x33: {  	p0 =	seq.s32 s10, $0x1;
	s10 =	sld [smem:$0x3FB7];
	_ =	sdelay $0x3  }
0x34: {  	[smem:$0x3FB7] =	sst s10  }
0x35: {  	s10 =	sld [smem:$0x3FB6];
	_ =	sdelay $0x3  }
0x36: {  	p1 =	seq.s32 s10, $0x1;
	s10 =	sld [smem:$0x3FB7];
	_ =	sdelay $0x3  }
0x37: {  	[smem:$0x3FB7] =	sst s10  }
0x38: {  	s10 =	sld [smem:$0x3FB8]  }
0x39: {  	_ = 	snop;
	(pc) =	sbr.ind lr, $3  }
0x3a: {  	_ = 	snop  }
0x3b: {  	_ = 	snop  }
0x3c: {  	p2 =	seq.s32 s10, $0x1;
	s10 =	sld [smem:$0x3FB7]  }
0x3d: {  	_ =	shalt  }
0x3e: {  	_ =	shalt  }
0x3f: {  	_ =	shalt  }
0x40: {  	_ =	shalt  }
0x41: {  	_ =	shalt  }
0x42: {  	_ =	shalt  }
0x43: {  	_ =	shalt  }
0x44: {  	_ =	shalt  }
0x45: {  	_ =	shalt  }
0x46: {  	_ =	shalt  }
0x47: {  	_ =	shalt  }
0x48: {  	_ =	shalt  }
0x49: {  	_ =	shalt  }
0x4a: {  	_ =	shalt  }
0x4b: {  	_ =	shalt  }
0x4c: {  	_ =	shalt  }
0x4d: {  	_ =	shalt  }
0x4e: {  	_ =	shalt  }
0x4f: {  	_ =	shalt  }
0x50: {  	_ =	shalt  }
0x51: {  	_ =	shalt  }
0x52: {  	_ =	shalt  }
0x53: {  	_ =	shalt  }
0x54: {  	_ =	shalt  }
0x55: {  	_ =	shalt  }
0x56: {  	_ =	shalt  }
0x57: {  	_ =	shalt  }
0x58: {  	_ =	shalt  }
0x59: {  	_ =	shalt  }
0x5a: {  	_ =	shalt  }
0x5b: {  	_ =	shalt  }
0x5c: {  	_ =	shalt  }
0x5d: {  	_ =	shalt  }
0x5e: {  	_ =	shalt  }
0x5f: {  	_ =	shalt  }
0x60: {  	_ =	shalt  }
0x61: {  	_ =	shalt  }
0x62: {  	_ =	shalt  }
0x63: {  	_ =	shalt  }
0x64: {  	_ =	shalt  }
0x65: {  	_ =	shalt  }
0x66: {  	_ =	shalt  }
0x67: {  	_ =	shalt  }
0x68: {  	_ =	shalt  }
0x69: {  	_ =	shalt  }
0x6a: {  	_ =	shalt  }
0x6b: {  	_ =	shalt  }
0x6c: {  	_ =	shalt  }
0x6d: {  	_ =	shalt  }
0x6e: {  	_ =	shalt  }
0x6f: {  	_ =	shalt  }
0x70: {  	_ =	shalt  }
0x71: {  	_ =	shalt  }
0x72: {  	_ =	shalt  }
0x73: {  	_ =	shalt  }
0x74: {  	_ =	shalt  }
0x75: {  	_ =	shalt  }
0x76: {  	_ =	shalt  }
0x77: {  	_ =	shalt  }
0x78: {  	_ =	shalt  }
0x79: {  	_ =	shalt  }
0x7a: {  	_ =	shalt  }
0x7b: {  	_ =	shalt  }
0x7c: {  	_ =	shalt  }
0x7d: {  	_ =	shalt  }
0x7e: {  	_ =	shalt  }
0x7f: {  	_ =	shalt  }
0x80: {  	_ =	shalt  }
0x81: {  	_ =	shalt  }
0x82: {  	_ =	shalt  }
0x83: {  	_ =	shalt  }
0x84: {  	_ =	shalt  }
0x85: {  	_ =	shalt  }
0x86: {  	_ =	shalt  }
0x87: {  	_ =	shalt  }
.Lfunc_end0:
.L_simem_size_0:
called_computation_lowered:
.L_overlay_start_0:
0x88: {  	s2 =	sld [smem:$0x3FD9]  }
0x89: {  	s3 =	sld [smem:$0x3FFE];
	_ =	sdelay $0x1  }
0x8a: {  	s1 =	srdreg.scid  }
0x8b: {  	s0 =	sand.u32 $0x1, s1  }
0x8c: {  	s17 =	sshll.u32 s0, $0xA;
	s2 =	sadd.s32 s3, s2  }
0x8d: {  	s2 =	sadd.s32 s2, s17  }
0x8e: {  	[smem:$0x3FC3] =	sst s2  }
0x8f: {  	_ = 	snop  }
0x90: {  	s2 =	sld [smem:$0x3FC9];
	(tm) =	ssettm $0x1  }
0x91: {  	s18 =	sld [smem:$0x3FFB];
	_ =	sdelay $0x3  }
0x92: {  	_ =	strace s18  }
0x93: {  	s3 =	sld [smem:$0x3FFC];
	_ =	sdelay $0x3  }
0x94: {  	_ =	strace s3  }
0x95: {  	s3 =	sld [smem:$0x3FFD];
	_ =	sdelay $0x3  }
0x96: {  	_ =	strace s3  }
0x97: {  	_ =	strace $0x8FFFFFFF  }
0x98: {  	s19 =	sld [smem:$0x3FDB];
	_ =	sdelay $0x1  }
0x99: {  	s4 =	simm.s32 $_scs_section_size  }
0x9a: {  	s5 =	simm.s32 $_size__tile_overlayer_lowered;
	s6 =	simm.s32 $_tile_overlayer_lowered  }
0x9b: {  	s22 =	simm.s32 $0x1BFF;
	s21 =	sshll.u32 s6, $0x1;
	s3 =	sadd.s32 s4, s19  }
0x9c: {  	s7 =	simm.s32 $0x0;
	s20 =	sshll.u32 s5, $0x1;
	s5 =	sadd.s32 s21, s3  }
0x9d: {  	[timem:s7], [sflag:s22] =	dma.local [hbm:s5], s20  }
0x9e: {  	_ =	swait.ge [sflag:s22], s20  }
0x9f: {  	s4 =	ssub.s32 $0x0, s20;
	[sflag:s22] =	ssyncset.done $0x0  }
0xa0: {  	[sflag:s22] =	ssyncadd.s32 s4;
	_ =	sdelay $0x1  }
0xa1: {  	s23 =	simm.s32 $0x1B8B  }
0xa2: {  	_ =	swait.ge [sflag:s23], $0x1  }
0xa3: {  	[sflag:s23] =	ssyncset.done $0x0  }
0xa4: {  	s25 =	simm.s32 $0x1B8E;
	s24 =	sld [smem:$0x3FFE];
	[sflag:s23] =	ssyncadd.s32 $0xFFFFFFFF  }
0xa5: {  	s26 =	simm.s32 $execute0_lowered;
	[smem:$0x3FD2] =	sst s25  }
0xa6: {  	s5 =	sshll.u32 s26, $0x1;
	_ =	strace $0x80000046;
	[dreg:$0x1] =	wrdreg $0xFFFFFFFF  }
0xa7: {  	s28 =	simm.s32 $_size_execute0_lowered;
	s3 =	sadd.s32 s3, s5;
	[dreg:$0x0] =	wrdreg $0x0  }
0xa8: {  	s5 =	sshll.u32 s28, $0x1;
	[dreg:$0x2] =	wrdreg s3  }
0xa9: {  	[dreg:$0x3] =	wrdreg s5  }
0xaa: {  	[dreg:$0x4] =	wrdreg $0xC0  }
0xab: {  	_ =	task [dreg:s7], $0x5FFFF  }
0xac: {  	[dreg:$0x1] =	wrdreg $0xFFFFFFFF  }
0xad: {  	[dreg:$0x0] =	wrdreg $0x60  }
0xae: {  	[dreg:$0x2] =	wrdreg s2  }
0xaf: {  	[dreg:$0x3] =	wrdreg s24  }
0xb0: {  	[dreg:$0x4] =	wrdreg $0x9  }
0xb1: {  	_ =	task.clear_ibuf [dreg:s7], $0x5FFFF;
	_ =	strace $0x90000046  }
0xb2: {  	s29 =	simm.s32 $0x9;
	_ =	strace $0x80000048  }
0xb3: {  	_ =	swait.ge [sflag:s29], $0x1  }
0xb4: {  	[sflag:s29] =	ssyncadd.s32 $0xFFFFFFFF  }
0xb5: {  	_ =	strace $0x90000048  }
0xb6: {  	_ =	sfence  }
0xb7: {  	s30 =	sld [smem:$0x0];
	_ =	sdelay $0x2  }
0xb8: {  	s31 =	sshll.u32 s1, $0xD;
	s1 =	sshrl.u32 s1, $0x2  }
0xb9: {  	s3 =	sand.u32 $0x4000, s31;
	s1 =	sadd.s32 s1, s30  }
0xba: {  	s0 =	sor.u32 s3, s0;
	s1 =	sshll.u32 s1, $0x11  }
0xbb: {  	s0 =	sor.u32 s1, s0  }
0xbc: {  	s0 =	sadd.s32 $0x8F2B, s0  }
0xbd: {  	[sflag:s0] =	ssyncadd.remote.s32 $0x1  }
0xbe: {  	_ =	sfence.sel $0xFFFF  }
0xbf: {  	[dreg:$0x0] =	wrdreg $0xFFFFFFFF;
	(pc) =	sbr.abs _section_cstart, $3  }
0xc0: {  	[dreg:$0x1] =	wrdreg $0xFFFFFFFF  }
0xc1: {  	_ =	task.clear_ibuf [dreg:s7], $0x2FFFF;
	_ =	strace $0x9FFFFFFF  }
0xc2: {  	(tm) =	ssettm $0x7FFFFFFF  }
0xc3: {  	_ =	shalt  }
tec
execute0_lowered:
.L_overlay_start_1:
0x0: {  	(tag) =	ssettag $0x1  }
0x1: {  	s0 =	rddreg [dreg:$0x0]  }
0x2: {  	s1 =	rddreg [dreg:$0x1];
	s2 =	simm.s32 $0x0;
	s3 =	srdreg.scid  }
0x3: {  	s4 =	stileid.u32;
	s18 =	simm.s32 $0x1;
	s20 =	simm.s32 $0x880  }
0x4: {  	s21 =	simm.s32 $0x1080;
	s28 =	simm.s32 $0x4080;
	s29 =	simm.s32 $0x4880  }
0x5: {  	s30 =	simm.s32 $0x5080;
	s31 =	simm.s32 $0x5880;
	s10 =	simm.s32 $0x7080  }
0x6: {  	s11 =	simm.s32 $0x7880;
	s12 =	simm.s32 $0x8080;
	s13 =	simm.s32 $0x8880  }
0x7: {  	s14 =	simm.s32 $0x9080;
	s15 =	simm.s32 $0x9880;
	s16 =	simm.s32 $0xA080  }
0x8: {  	s17 =	simm.s32 $0xA880;
	[smem:$0x7FF] =	sst s2;
	s3 =	sand.u32 $0x1, s3  }
0x9: {  	s4 =	sshll.u32 s4, $0x8;
	s6 =	sadd.s32 $0xC00, s1;
	_ =	strace $0x80000047  }
0xa: {  	s5 =	sshll.u32 s3, $0x7;
	s7 =	ssub.s32 $0x2, s3;
	s3 =	sadd.s32 $0xE00, s1  }
0xb: {  	s4 =	sor.u32 s5, s4;
	s22 =	sshrl.u32 s7, $0x1;
	s5 =	sadd.s32 $0x1000, s1  }
0xc: {  	s8 =	sshrl.u32 s4, $0x3;
	s7 =	ssub.s32 s7, s22;
	s24 =	sshll.u32 s4, $0x7  }
0xd: {  	s26 =	sor.u32 $0x40, s4;
	s4 =	sadd.s32 $0xF00, s1;
	s22 =	simm.s32 $0x1880  }
0xe: {  	s23 =	sadd.s32 s6, s8;
	s25 =	sadd.s32 s0, s24;
	s9 =	sshrl.u32 s26, $0x3  }
0xf: {  	s8 =	sshll.u32 s26, $0x7;
	s7 =	smax.u32 s7, $0x1;
	[dreg:$0x3] =	wrdreg s23  }
0x10: {  	s24 =	simm.s32 $0x2880;
	s26 =	simm.s32 $0x3880;
	[dreg:$0x4] =	wrdreg s25  }
0x11: {  	v2 =	vlaneseq.u32;
	s9 =	sadd.s32 s6, s9;
	s6 =	sadd.s32 $0x1100, s1;
	s0 =	sadd.s32 s0, s8  }
0x12: {  	vm0 =	vmmov $0xffff;
	v1 =	vshrl.u32 v2, $0x3;
	s8 =	simm.s32 $0x2;
	s23 =	simm.s32 $0x2080;
	[dreg:$0x5] =	wrdreg s9  }
0x13: {  	v0 =	vand.u32 $0x7, v2;
	v2 =	vor.u32 $0x8, v2;
	v1 =	vmul.u32 $0x8, v1;
	s25 =	simm.s32 $0x3080;
	[dreg:$0x6] =	wrdreg s0;
	s9 =	simm.s32 $0xB080  }
.LBB2_1:
0x14: {  	s19 =	rddreg [dreg:$0x3]  }
0x15: {  	[tilespmem:s2], [sflag:$0x2] =	stream.linear.gather [hbm4b:s19+s2], $0x40, $0x38;
	[tilespmem:$0x10080] =	vst v63  }
0x16: {  	_ =	swait.ge [sflag:s8], $0x40  }
0x17: {  	[sflag:s8] =	ssyncset.done $0x0  }
0x18: {  	s0 =	simm.s32 $0x80;
	s1 =	rddreg [dreg:$0x4];
	[sflag:s8] =	ssyncadd.s32 $0xFFFFFFC0  }
0x19: {  	[tilespmem:s0], [sflag:$0x2] =	stream.linear.gather [hbm4b:s1+s2], $0x10000, $0x38;
	[tilespmem:$0x10080] =	vst v63  }
0x1a: {  	_ =	swait.ge [sflag:s8], $0x10000  }
0x1b: {  	[sflag:s8] =	ssyncset.done $0x0  }
0x1c: {  	[sflag:s8] =	ssyncadd.s32 $0xFFFF0000  }
0x1d: {  	v3 =	vld [tilespmem:$0x0];
	_ =	sdelay $0x4  }
0x1e: {  	v4 =	vshll.u32 v3, $0x3  }
0x1f: {  	v3 =	vand.u32 $0x7, v3;
	v4 =	vand.u32 $0xFFFFFFC0, v4  }
0x20: {  	v3 =	vor.u32 v3, v4  }
0x21: {  	v4 =	vperm.xlane v3, v0;
	_ =	sdelay $0x1  }
0x22: {  	v4 =	vadd.s32 v1, v4;
	_ =	sdelay $0x4  }
0x23: {  	[hbm4b:s3+s2] =	stream.indirect_vreg.scatter [tilespmem:s0], [sflag:$0x1], $0x80, v4, vm0, $0xb8;
	[tilespmem:$0x10080] =	vst v63  }
0x24: {  	v3 =	vperm.xlane v3, v2  }
0x25: {  	[hbm4b:s4+s2] =	stream.indirect_vreg.scatter [tilespmem:s20], [sflag:$0x1], $0x80, v4, vm0, $0xb8;
	[tilespmem:$0x10080] =	vst v63  }
0x26: {  	v3 =	vadd.s32 v1, v3  }
0x27: {  	[hbm4b:s5+s2] =	stream.indirect_vreg.scatter [tilespmem:s21], [sflag:$0x1], $0x80, v4, vm0, $0xb8;
	[tilespmem:$0x10080] =	vst v63  }
0x28: {  	_ = 	snop  }
0x29: {  	[hbm4b:s6+s2] =	stream.indirect_vreg.scatter [tilespmem:s22], [sflag:$0x1], $0x80, v4, vm0, $0xb8;
	[tilespmem:$0x10080] =	vst v63  }
0x2a: {  	_ = 	snop  }
0x2b: {  	[hbm4b:s3+s2] =	stream.indirect_vreg.scatter [tilespmem:s23], [sflag:$0x1], $0x80, v3, vm0, $0xb8;
	[tilespmem:$0x10080] =	vst v63  }
0x2c: {  	_ = 	snop  }
0x2d: {  	[hbm4b:s4+s2] =	stream.indirect_vreg.scatter [tilespmem:s24], [sflag:$0x1], $0x80, v3, vm0, $0xb8;
	[tilespmem:$0x10080] =	vst v63  }
0x2e: {  	_ = 	snop  }
0x2f: {  	[hbm4b:s5+s2] =	stream.indirect_vreg.scatter [tilespmem:s25], [sflag:$0x1], $0x80, v3, vm0, $0xb8;
	[tilespmem:$0x10080] =	vst v63  }
0x30: {  	_ = 	snop  }
0x31: {  	[hbm4b:s6+s2] =	stream.indirect_vreg.scatter [tilespmem:s26], [sflag:$0x1], $0x80, v3, vm0, $0xb8;
	[tilespmem:$0x10080] =	vst v63  }
0x32: {  	v3 =	vld [tilespmem:$0x10];
	_ =	sdelay $0x4  }
0x33: {  	v57 =	vshll.u32 v3, $0x3  }
0x34: {  	v3 =	vand.u32 $0x7, v3;
	v4 =	vand.u32 $0xFFFFFFC0, v57  }
0x35: {  	v3 =	vor.u32 v3, v4  }
0x36: {  	v4 =	vperm.xlane v3, v0;
	_ =	sdelay $0x1  }
0x37: {  	v4 =	vadd.s32 v1, v4;
	_ =	sdelay $0x4  }
0x38: {  	[hbm4b:s3+s2] =	stream.indirect_vreg.scatter [tilespmem:s28], [sflag:$0x1], $0x80, v4, vm0, $0xb8;
	[tilespmem:$0x10080] =	vst v63  }
0x39: {  	v3 =	vperm.xlane v3, v2  }
0x3a: {  	[hbm4b:s4+s2] =	stream.indirect_vreg.scatter [tilespmem:s29], [sflag:$0x1], $0x80, v4, vm0, $0xb8;
	[tilespmem:$0x10080] =	vst v63  }
0x3b: {  	v3 =	vadd.s32 v1, v3  }
0x3c: {  	[hbm4b:s5+s2] =	stream.indirect_vreg.scatter [tilespmem:s30], [sflag:$0x1], $0x80, v4, vm0, $0xb8;
	[tilespmem:$0x10080] =	vst v63  }
0x3d: {  	_ = 	snop  }
0x3e: {  	[hbm4b:s6+s2] =	stream.indirect_vreg.scatter [tilespmem:s31], [sflag:$0x1], $0x80, v4, vm0, $0xb8;
	[tilespmem:$0x10080] =	vst v63  }
0x3f: {  	s1 =	simm.s32 $0x6080  }
0x40: {  	[hbm4b:s3+s2] =	stream.indirect_vreg.scatter [tilespmem:s1], [sflag:$0x1], $0x80, v3, vm0, $0xb8;
	[tilespmem:$0x10080] =	vst v63  }
0x41: {  	s1 =	simm.s32 $0x6880  }
0x42: {  	[hbm4b:s4+s2] =	stream.indirect_vreg.scatter [tilespmem:s1], [sflag:$0x1], $0x80, v3, vm0, $0xb8;
	[tilespmem:$0x10080] =	vst v63  }
0x43: {  	_ = 	snop  }
0x44: {  	[hbm4b:s5+s2] =	stream.indirect_vreg.scatter [tilespmem:s10], [sflag:$0x1], $0x80, v3, vm0, $0xb8;
	[tilespmem:$0x10080] =	vst v63  }
0x45: {  	_ = 	snop  }
0x46: {  	[hbm4b:s6+s2] =	stream.indirect_vreg.scatter [tilespmem:s11], [sflag:$0x1], $0x80, v3, vm0, $0xb8;
	[tilespmem:$0x10080] =	vst v63  }
0x47: {  	v3 =	vld [tilespmem:$0x20];
	_ =	sdelay $0x4  }
0x48: {  	v58 =	vshll.u32 v3, $0x3  }
0x49: {  	v3 =	vand.u32 $0x7, v3;
	v4 =	vand.u32 $0xFFFFFFC0, v58  }
0x4a: {  	v3 =	vor.u32 v3, v4  }
0x4b: {  	v4 =	vperm.xlane v3, v0;
	_ =	sdelay $0x1  }
0x4c: {  	v4 =	vadd.s32 v1, v4;
	_ =	sdelay $0x4  }
0x4d: {  	[hbm4b:s3+s2] =	stream.indirect_vreg.scatter [tilespmem:s12], [sflag:$0x1], $0x80, v4, vm0, $0xb8;
	[tilespmem:$0x10080] =	vst v63  }
0x4e: {  	v3 =	vperm.xlane v3, v2  }
0x4f: {  	[hbm4b:s4+s2] =	stream.indirect_vreg.scatter [tilespmem:s13], [sflag:$0x1], $0x80, v4, vm0, $0xb8;
	[tilespmem:$0x10080] =	vst v63  }
0x50: {  	v3 =	vadd.s32 v1, v3  }
0x51: {  	[hbm4b:s5+s2] =	stream.indirect_vreg.scatter [tilespmem:s14], [sflag:$0x1], $0x80, v4, vm0, $0xb8;
	[tilespmem:$0x10080] =	vst v63  }
0x52: {  	_ = 	snop  }
0x53: {  	[hbm4b:s6+s2] =	stream.indirect_vreg.scatter [tilespmem:s15], [sflag:$0x1], $0x80, v4, vm0, $0xb8;
	[tilespmem:$0x10080] =	vst v63  }
0x54: {  	_ = 	snop  }
0x55: {  	[hbm4b:s3+s2] =	stream.indirect_vreg.scatter [tilespmem:s16], [sflag:$0x1], $0x80, v3, vm0, $0xb8;
	[tilespmem:$0x10080] =	vst v63  }
0x56: {  	_ = 	snop  }
0x57: {  	[hbm4b:s4+s2] =	stream.indirect_vreg.scatter [tilespmem:s17], [sflag:$0x1], $0x80, v3, vm0, $0xb8;
	[tilespmem:$0x10080] =	vst v63  }
0x58: {  	_ = 	snop  }
0x59: {  	[hbm4b:s5+s2] =	stream.indirect_vreg.scatter [tilespmem:s9], [sflag:$0x1], $0x80, v3, vm0, $0xb8;
	[tilespmem:$0x10080] =	vst v63  }
0x5a: {  	s19 =	simm.s32 $0xB880  }
0x5b: {  	[hbm4b:s6+s2] =	stream.indirect_vreg.scatter [tilespmem:s19], [sflag:$0x1], $0x80, v3, vm0, $0xb8;
	[tilespmem:$0x10080] =	vst v63  }
0x5c: {  	v3 =	vld [tilespmem:$0x30];
	_ =	sdelay $0x4  }
0x5d: {  	v59 =	vshll.u32 v3, $0x3  }
0x5e: {  	v3 =	vand.u32 $0x7, v3;
	v4 =	vand.u32 $0xFFFFFFC0, v59  }
0x5f: {  	v3 =	vor.u32 v3, v4  }
0x60: {  	v4 =	vperm.xlane v3, v0;
	_ =	sdelay $0x1  }
0x61: {  	v4 =	vadd.s32 v1, v4;
	_ =	sdelay $0x3  }
0x62: {  	s19 =	simm.s32 $0xC080  }
0x63: {  	[hbm4b:s3+s2] =	stream.indirect_vreg.scatter [tilespmem:s19], [sflag:$0x1], $0x80, v4, vm0, $0xb8;
	[tilespmem:$0x10080] =	vst v63  }
0x64: {  	v3 =	vperm.xlane v3, v2;
	s19 =	simm.s32 $0xC880  }
0x65: {  	[hbm4b:s4+s2] =	stream.indirect_vreg.scatter [tilespmem:s19], [sflag:$0x1], $0x80, v4, vm0, $0xb8;
	[tilespmem:$0x10080] =	vst v63  }
0x66: {  	v3 =	vadd.s32 v1, v3;
	s19 =	simm.s32 $0xD080  }
0x67: {  	[hbm4b:s5+s2] =	stream.indirect_vreg.scatter [tilespmem:s19], [sflag:$0x1], $0x80, v4, vm0, $0xb8;
	[tilespmem:$0x10080] =	vst v63  }
0x68: {  	s19 =	simm.s32 $0xD880  }
0x69: {  	[hbm4b:s6+s2] =	stream.indirect_vreg.scatter [tilespmem:s19], [sflag:$0x1], $0x80, v4, vm0, $0xb8;
	[tilespmem:$0x10080] =	vst v63  }
0x6a: {  	s19 =	simm.s32 $0xE080  }
0x6b: {  	[hbm4b:s3+s2] =	stream.indirect_vreg.scatter [tilespmem:s19], [sflag:$0x1], $0x80, v3, vm0, $0xb8;
	[tilespmem:$0x10080] =	vst v63  }
0x6c: {  	s19 =	simm.s32 $0xE880  }
0x6d: {  	[hbm4b:s4+s2] =	stream.indirect_vreg.scatter [tilespmem:s19], [sflag:$0x1], $0x80, v3, vm0, $0xb8;
	[tilespmem:$0x10080] =	vst v63  }
0x6e: {  	s19 =	simm.s32 $0xF080  }
0x6f: {  	[hbm4b:s5+s2] =	stream.indirect_vreg.scatter [tilespmem:s19], [sflag:$0x1], $0x80, v3, vm0, $0xb8;
	[tilespmem:$0x10080] =	vst v63  }
0x70: {  	s19 =	simm.s32 $0xF880  }
0x71: {  	[hbm4b:s6+s2] =	stream.indirect_vreg.scatter [tilespmem:s19], [sflag:$0x1], $0x80, v3, vm0, $0xb8;
	[tilespmem:$0x10080] =	vst v63  }
0x72: {  	_ =	swait.ge [sflag:s18], $0x10000  }
0x73: {  	[sflag:s18] =	ssyncset.done $0x0  }
0x74: {  	s19 =	rddreg [dreg:$0x5];
	[sflag:s18] =	ssyncadd.s32 $0xFFFF0000  }
0x75: {  	[tilespmem:s2], [sflag:$0x2] =	stream.linear.gather [hbm4b:s19+s2], $0x40, $0x38;
	[tilespmem:$0x10080] =	vst v63  }
0x76: {  	_ =	swait.ge [sflag:s8], $0x40  }
0x77: {  	[sflag:s8] =	ssyncset.done $0x0  }
0x78: {  	s19 =	rddreg [dreg:$0x6];
	[sflag:s8] =	ssyncadd.s32 $0xFFFFFFC0  }
0x79: {  	[tilespmem:s0], [sflag:$0x2] =	stream.linear.gather [hbm4b:s19+s2], $0x10000, $0x38;
	[tilespmem:$0x10080] =	vst v63  }
0x7a: {  	_ =	swait.ge [sflag:s8], $0x10000  }
0x7b: {  	[sflag:s8] =	ssyncset.done $0x0  }
0x7c: {  	[sflag:s8] =	ssyncadd.s32 $0xFFFF0000  }
0x7d: {  	v3 =	vld [tilespmem:$0x0];
	_ =	sdelay $0x4  }
0x7e: {  	v60 =	vshll.u32 v3, $0x3  }
0x7f: {  	v3 =	vand.u32 $0x7, v3;
	v4 =	vand.u32 $0xFFFFFFC0, v60  }
0x80: {  	v3 =	vor.u32 v3, v4  }
0x81: {  	v4 =	vperm.xlane v3, v0;
	_ =	sdelay $0x1  }
0x82: {  	v4 =	vadd.s32 v1, v4;
	_ =	sdelay $0x4  }
0x83: {  	[hbm4b:s3+s2] =	stream.indirect_vreg.scatter [tilespmem:s0], [sflag:$0x1], $0x80, v4, vm0, $0xb8;
	[tilespmem:$0x10080] =	vst v63  }
0x84: {  	v3 =	vperm.xlane v3, v2  }
0x85: {  	[hbm4b:s4+s2] =	stream.indirect_vreg.scatter [tilespmem:s20], [sflag:$0x1], $0x80, v4, vm0, $0xb8;
	[tilespmem:$0x10080] =	vst v63  }
0x86: {  	v3 =	vadd.s32 v1, v3  }
0x87: {  	[hbm4b:s5+s2] =	stream.indirect_vreg.scatter [tilespmem:s21], [sflag:$0x1], $0x80, v4, vm0, $0xb8;
	[tilespmem:$0x10080] =	vst v63  }
0x88: {  	_ = 	snop  }
0x89: {  	[hbm4b:s6+s2] =	stream.indirect_vreg.scatter [tilespmem:s22], [sflag:$0x1], $0x80, v4, vm0, $0xb8;
	[tilespmem:$0x10080] =	vst v63  }
0x8a: {  	_ = 	snop  }
0x8b: {  	[hbm4b:s3+s2] =	stream.indirect_vreg.scatter [tilespmem:s23], [sflag:$0x1], $0x80, v3, vm0, $0xb8;
	[tilespmem:$0x10080] =	vst v63  }
0x8c: {  	_ = 	snop  }
0x8d: {  	[hbm4b:s4+s2] =	stream.indirect_vreg.scatter [tilespmem:s24], [sflag:$0x1], $0x80, v3, vm0, $0xb8;
	[tilespmem:$0x10080] =	vst v63  }
0x8e: {  	_ = 	snop  }
0x8f: {  	[hbm4b:s5+s2] =	stream.indirect_vreg.scatter [tilespmem:s25], [sflag:$0x1], $0x80, v3, vm0, $0xb8;
	[tilespmem:$0x10080] =	vst v63  }
0x90: {  	_ = 	snop  }
0x91: {  	[hbm4b:s6+s2] =	stream.indirect_vreg.scatter [tilespmem:s26], [sflag:$0x1], $0x80, v3, vm0, $0xb8;
	[tilespmem:$0x10080] =	vst v63  }
0x92: {  	v3 =	vld [tilespmem:$0x10];
	_ =	sdelay $0x4  }
0x93: {  	v61 =	vshll.u32 v3, $0x3  }
0x94: {  	v3 =	vand.u32 $0x7, v3;
	v4 =	vand.u32 $0xFFFFFFC0, v61  }
0x95: {  	v3 =	vor.u32 v3, v4  }
0x96: {  	v4 =	vperm.xlane v3, v0;
	_ =	sdelay $0x1  }
0x97: {  	v4 =	vadd.s32 v1, v4;
	_ =	sdelay $0x4  }
0x98: {  	[hbm4b:s3+s2] =	stream.indirect_vreg.scatter [tilespmem:s28], [sflag:$0x1], $0x80, v4, vm0, $0xb8;
	[tilespmem:$0x10080] =	vst v63  }
0x99: {  	v3 =	vperm.xlane v3, v2  }
0x9a: {  	[hbm4b:s4+s2] =	stream.indirect_vreg.scatter [tilespmem:s29], [sflag:$0x1], $0x80, v4, vm0, $0xb8;
	[tilespmem:$0x10080] =	vst v63  }
0x9b: {  	v3 =	vadd.s32 v1, v3  }
0x9c: {  	[hbm4b:s5+s2] =	stream.indirect_vreg.scatter [tilespmem:s30], [sflag:$0x1], $0x80, v4, vm0, $0xb8;
	[tilespmem:$0x10080] =	vst v63  }
0x9d: {  	_ = 	snop  }
0x9e: {  	[hbm4b:s6+s2] =	stream.indirect_vreg.scatter [tilespmem:s31], [sflag:$0x1], $0x80, v4, vm0, $0xb8;
	[tilespmem:$0x10080] =	vst v63  }
0x9f: {  	s19 =	simm.s32 $0x6080  }
0xa0: {  	[hbm4b:s3+s2] =	stream.indirect_vreg.scatter [tilespmem:s19], [sflag:$0x1], $0x80, v3, vm0, $0xb8;
	[tilespmem:$0x10080] =	vst v63  }
0xa1: {  	_ = 	snop  }
0xa2: {  	[hbm4b:s4+s2] =	stream.indirect_vreg.scatter [tilespmem:s1], [sflag:$0x1], $0x80, v3, vm0, $0xb8;
	[tilespmem:$0x10080] =	vst v63  }
0xa3: {  	_ = 	snop  }
0xa4: {  	[hbm4b:s5+s2] =	stream.indirect_vreg.scatter [tilespmem:s10], [sflag:$0x1], $0x80, v3, vm0, $0xb8;
	[tilespmem:$0x10080] =	vst v63  }
0xa5: {  	_ = 	snop  }
0xa6: {  	[hbm4b:s6+s2] =	stream.indirect_vreg.scatter [tilespmem:s11], [sflag:$0x1], $0x80, v3, vm0, $0xb8;
	[tilespmem:$0x10080] =	vst v63  }
0xa7: {  	v3 =	vld [tilespmem:$0x20];
	_ =	sdelay $0x4  }
0xa8: {  	v62 =	vshll.u32 v3, $0x3  }
0xa9: {  	v3 =	vand.u32 $0x7, v3;
	v4 =	vand.u32 $0xFFFFFFC0, v62  }
0xaa: {  	v3 =	vor.u32 v3, v4  }
0xab: {  	v4 =	vperm.xlane v3, v0;
	_ =	sdelay $0x1  }
0xac: {  	v4 =	vadd.s32 v1, v4;
	_ =	sdelay $0x4  }
0xad: {  	[hbm4b:s3+s2] =	stream.indirect_vreg.scatter [tilespmem:s12], [sflag:$0x1], $0x80, v4, vm0, $0xb8;
	[tilespmem:$0x10080] =	vst v63  }
0xae: {  	v3 =	vperm.xlane v3, v2  }
0xaf: {  	[hbm4b:s4+s2] =	stream.indirect_vreg.scatter [tilespmem:s13], [sflag:$0x1], $0x80, v4, vm0, $0xb8;
	[tilespmem:$0x10080] =	vst v63  }
0xb0: {  	v3 =	vadd.s32 v1, v3  }
0xb1: {  	[hbm4b:s5+s2] =	stream.indirect_vreg.scatter [tilespmem:s14], [sflag:$0x1], $0x80, v4, vm0, $0xb8;
	[tilespmem:$0x10080] =	vst v63  }
0xb2: {  	_ = 	snop  }
0xb3: {  	[hbm4b:s6+s2] =	stream.indirect_vreg.scatter [tilespmem:s15], [sflag:$0x1], $0x80, v4, vm0, $0xb8;
	[tilespmem:$0x10080] =	vst v63  }
0xb4: {  	_ = 	snop  }
0xb5: {  	[hbm4b:s3+s2] =	stream.indirect_vreg.scatter [tilespmem:s16], [sflag:$0x1], $0x80, v3, vm0, $0xb8;
	[tilespmem:$0x10080] =	vst v63  }
0xb6: {  	_ = 	snop  }
0xb7: {  	[hbm4b:s4+s2] =	stream.indirect_vreg.scatter [tilespmem:s17], [sflag:$0x1], $0x80, v3, vm0, $0xb8;
	[tilespmem:$0x10080] =	vst v63  }
0xb8: {  	_ = 	snop  }
0xb9: {  	[hbm4b:s5+s2] =	stream.indirect_vreg.scatter [tilespmem:s9], [sflag:$0x1], $0x80, v3, vm0, $0xb8;
	[tilespmem:$0x10080] =	vst v63  }
0xba: {  	s19 =	simm.s32 $0xB880  }
0xbb: {  	[hbm4b:s6+s2] =	stream.indirect_vreg.scatter [tilespmem:s19], [sflag:$0x1], $0x80, v3, vm0, $0xb8;
	[tilespmem:$0x10080] =	vst v63  }
0xbc: {  	v3 =	vld [tilespmem:$0x30];
	_ =	sdelay $0x4  }
0xbd: {  	v63 =	vshll.u32 v3, $0x3  }
0xbe: {  	v3 =	vand.u32 $0x7, v3;
	v4 =	vand.u32 $0xFFFFFFC0, v63  }
0xbf: {  	v3 =	vor.u32 v3, v4  }
0xc0: {  	v4 =	vperm.xlane v3, v0;
	_ =	sdelay $0x1  }
0xc1: {  	v4 =	vadd.s32 v1, v4;
	_ =	sdelay $0x3  }
0xc2: {  	s1 =	simm.s32 $0xC080  }
0xc3: {  	[hbm4b:s3+s2] =	stream.indirect_vreg.scatter [tilespmem:s1], [sflag:$0x1], $0x80, v4, vm0, $0xb8;
	[tilespmem:$0x10080] =	vst v63  }
0xc4: {  	s19 =	simm.s32 $0xC880;
	v3 =	vperm.xlane v3, v2  }
0xc5: {  	[hbm4b:s4+s2] =	stream.indirect_vreg.scatter [tilespmem:s19], [sflag:$0x1], $0x80, v4, vm0, $0xb8;
	[tilespmem:$0x10080] =	vst v63  }
0xc6: {  	v3 =	vadd.s32 v1, v3;
	s1 =	simm.s32 $0xD080  }
0xc7: {  	[hbm4b:s5+s2] =	stream.indirect_vreg.scatter [tilespmem:s1], [sflag:$0x1], $0x80, v4, vm0, $0xb8;
	[tilespmem:$0x10080] =	vst v63  }
0xc8: {  	s19 =	simm.s32 $0xD880  }
0xc9: {  	[hbm4b:s6+s2] =	stream.indirect_vreg.scatter [tilespmem:s19], [sflag:$0x1], $0x80, v4, vm0, $0xb8;
	[tilespmem:$0x10080] =	vst v63  }
0xca: {  	s1 =	simm.s32 $0xE080  }
0xcb: {  	[hbm4b:s3+s2] =	stream.indirect_vreg.scatter [tilespmem:s1], [sflag:$0x1], $0x80, v3, vm0, $0xb8;
	[tilespmem:$0x10080] =	vst v63  }
0xcc: {  	s19 =	simm.s32 $0xE880  }
0xcd: {  	[hbm4b:s4+s2] =	stream.indirect_vreg.scatter [tilespmem:s19], [sflag:$0x1], $0x80, v3, vm0, $0xb8;
	[tilespmem:$0x10080] =	vst v63  }
0xce: {  	p0 =	sne.s32 s7, $0x1;
	s1 =	simm.s32 $0xF080  }
0xcf: {  	[hbm4b:s5+s2] =	stream.indirect_vreg.scatter [tilespmem:s1], [sflag:$0x1], $0x80, v3, vm0, $0xb8;
	[tilespmem:$0x10080] =	vst v63  }
.Ltmp0:
0xd0: {  	s19 =	simm.s32 $0xF880;
	(pc) =	sbr.rel @p0 .LBB2_1-.Ltmp0, $4  }
0xd1: {  	[hbm4b:s6+s2] =	stream.indirect_vreg.scatter [tilespmem:s19], [sflag:$0x1], $0x80, v3, vm0, $0xb8;
	[tilespmem:$0x10080] =	vst v63  }
0xd2: {  	_ =	swait.ge [sflag:s18], $0x10000  }
0xd3: {  	[sflag:s18] =	ssyncset.done $0x0  }
0xd4: {  	s7 =	sadd.s32 $0xFFFFFFFF, s7;
	[sflag:s18] =	ssyncadd.s32 $0xFFFF0000  }
0xd5: {  	_ =	sfence.sel $0x180000  }
0xd6: {  	[bflag:$0x0] =	sbarrier.arrive $0xFFFF  }
0xd7: {  	_ =	strace $0x90000047  }
0xd8: {  	s0 =	stileid.u32;
	[bflag:$0x2] =	sbarrier.arrive $0xFFFF  }
0xd9: {  	p0 =	sne.s32 s0, $0x0;
	s0 =	rddreg [dreg:$0x2]  }
0xda: {  	s0 =	sadd.s32 @!p0 $0x100000, s0  }
0xdb: {  	[sflag:s0] =	ssyncadd.tile.s32 @!p0 $0x1;
	_ =	shalt  }
.Lfunc_end2:
_tile_overlayer_lowered:
.L_overlay_start_2:
0xdc: {  	(tag) =	ssettag $0x2  }
0xdd: {  	s0 =	rddreg [dreg:$0x0];
	s2 =	stileid.u32  }
0xde: {  	s1 =	rddreg [dreg:$0x1];
	p0 =	sne.s32 s2, $0x0  }
0xdf: {  	s3 =	rddreg [dreg:$0x2];
	[bflag:$0x3] =	sbarrier.arrive $0xFFFF;
	s2 =	simm.s32 @!p0 $0x1C02  }
0xe0: {  	[timem:s3], [sflag:s2] =	dma.local @!p0 [hbm:s0], s1  }
0xe1: {  	s0 =	simm.s32 @!p0 $0x2  }
0xe2: {  	_ =	swait.ge @!p0 [sflag:s0], s1  }
0xe3: {  	s1 =	ssub.s32 @!p0 $0x0, s1;
	[sflag:s0] =	ssyncset.done @!p0 $0x0  }
0xe4: {  	[sflag:s0] =	ssyncadd.s32 @!p0 s1  }
0xe5: {  	[bflag:$0x3] =	sbarrier.arrive $0xFFFF  }
0xe6: {  	_ =	shalt  }

// kernel: kernel.9.cloned.1.call-start
scs
__scs_entry_jumppad:
0x0: {  	(pc) =	sbr.rel $0x88, $3  }
0x1: {  	(tag) =	ssettag $0x0;
	lr =	simm.s32 $0x1  }
0x2: {  	[smem:$0x3F9C] =	sst lr;
	_ =	strace $0xD0000000  }
0x3: {  	_ = 	snop  }
0x4: {  	_ = 	snop  }
0x5: {  	_ = 	snop  }
0x6: {  	_ = 	snop  }
0x7: {  	_ = 	snop  }
__scs_overlays_trampoline_lowered:
0x8: {  	[smem:$0x3FAB] =	sst s0  }
0x9: {  	[smem:$0x3FAC] =	sst s1  }
0xa: {  	[smem:$0x3FAD] =	sst s2  }
0xb: {  	[smem:$0x3FAE] =	sst s3  }
0xc: {  	[smem:$0x3FAF] =	sst s4  }
0xd: {  	[smem:$0x3FB0] =	sst s5  }
0xe: {  	[smem:$0x3FB1] =	sst s6  }
0xf: {  	[smem:$0x3FB2] =	sst s7  }
0x10: {  	[smem:$0x3FB3] =	sst s8  }
0x11: {  	[smem:$0x3FB4] =	sst s9;
	s0 =	simm.s32 @!p0 $0x0  }
0x12: {  	s1 =	sld [smem:$0x3F9A];
	s0 =	simm.s32 @p0 $0x1  }
0x13: {  	[smem:$0x3FB5] =	sst s0;
	s0 =	simm.s32 @!p1 $0x0  }
0x14: {  	s2 =	sld [smem:$0x3F99];
	s0 =	simm.s32 @p1 $0x1  }
0x15: {  	[smem:$0x3FB6] =	sst s0;
	s0 =	simm.s32 @!p2 $0x0  }
0x16: {  	s3 =	sld [smem:$0x3FDB];
	s0 =	simm.s32 @p2 $0x1  }
0x17: {  	s4 =	simm.s32 $0x1BF5;
	[smem:$0x3FB8] =	sst s0  }
0x18: {  	s0 =	sld [smem:$0x3F9B];
	_ =	swait.ge [sflag:s4], $0x0  }
0x19: {  	s7 =	sld [smem:$0x3F9C]  }
0x1a: {  	s8 =	sadd.s32 $0xFFFFE003, lr  }
0x1b: {  	s9 =	sadd.s32 $0xFFFFFEF7, lr;
	s5 =	simm.s32 $0xFFFFFFFF;
	p2 =	slt.u32 s8, $0xFFFFF086  }
0x1c: {  	p1 =	slt.u32 s9, $0xF7A;
	s5 =	simm.s32 @!p2 $0x0  }
0x1d: {  	s5 =	simm.s32 @p1 $0x1;
	p0 =	seq.s32 s7, s2  }
0x1e: {  	s7 =	smul.u32 @!p0 $0xF7A, s2;
	p2 =	seq.s32 @!p0 s5, $0x0  }
0x1f: {  	s9 =	smul.u32 $0xF7A, s1;
	s8 =	simm.s32 @!p0 $0x1BF5;
	p2 =	por !p2, p0  }
0x20: {  	[sflag:s8] =	ssyncset.s32 @!p0 $0xFFFFF086;
	s6 =	sadd.s32 @!p0 s3, s7;
	s7 =	simm.s32 @!p0 $0x108  }
0x21: {  	s3 =	sadd.s32 s3, s9;
	s6 =	sadd.s32 @!p0 $0x88, s6;
	s7 =	simm.s32 @p2 $0x1082  }
0x22: {  	[simem:s7], [sflag:s8] =	dma.local @!p0 [hbm:s6], $0xF7A  }
0x23: {  	s9 =	sor.u32 $0xD0000000, s2;
	s6 =	simm.s32 $0x108;
	_ =	swait.ge @!p0 [sflag:s8], $0x0  }
0x24: {  	s3 =	sadd.s32 $0x88, s3;
	s6 =	simm.s32 @!p1 $0x1082;
	[sflag:s4] =	ssyncset.s32 $0xFFFFF086  }
0x25: {  	[simem:s6], [sflag:s4] =	dma.local [hbm:s3], $0xF7A  }
0x26: {  	[smem:$0x3F9C] =	sst s1;
	(tag) =	ssettag s2;
	_ =	strace s9  }
0x27: {  	s1 =	sld [smem:$0x3FAC]  }
0x28: {  	s2 =	sld [smem:$0x3FAD]  }
0x29: {  	s4 =	sld [smem:$0x3FAF]  }
0x2a: {  	p0 =	seq.s32 s5, $0x0;
	s5 =	sld [smem:$0x3FB0]  }
0x2b: {  	s6 =	sld [smem:$0x3FB1]  }
0x2c: {  	s7 =	sld [smem:$0x3FB2]  }
0x2d: {  	s3 =	simm.s32 $0x108;
	s8 =	sld [smem:$0x3FB3]  }
0x2e: {  	s3 =	simm.s32 @!p0 $0x1082;
	s9 =	sld [smem:$0x3FB4]  }
0x2f: {  	lr =	sadd.s32 s0, s3;
	s0 =	sld [smem:$0x3FAB]  }
0x30: {  	s3 =	sld [smem:$0x3FAE]  }
0x31: {  	[smem:$0x3FB7] =	sst s10  }
0x32: {  	s10 =	sld [smem:$0x3FB5];
	_ =	sdelay $0x3  }
0x33: {  	p0 =	seq.s32 s10, $0x1;
	s10 =	sld [smem:$0x3FB7];
	_ =	sdelay $0x3  }
0x34: {  	[smem:$0x3FB7] =	sst s10  }
0x35: {  	s10 =	sld [smem:$0x3FB6];
	_ =	sdelay $0x3  }
0x36: {  	p1 =	seq.s32 s10, $0x1;
	s10 =	sld [smem:$0x3FB7];
	_ =	sdelay $0x3  }
0x37: {  	[smem:$0x3FB7] =	sst s10  }
0x38: {  	s10 =	sld [smem:$0x3FB8]  }
0x39: {  	_ = 	snop;
	(pc) =	sbr.ind lr, $3  }
0x3a: {  	_ = 	snop  }
0x3b: {  	_ = 	snop  }
0x3c: {  	p2 =	seq.s32 s10, $0x1;
	s10 =	sld [smem:$0x3FB7]  }
0x3d: {  	_ =	shalt  }
0x3e: {  	_ =	shalt  }
0x3f: {  	_ =	shalt  }
0x40: {  	_ =	shalt  }
0x41: {  	_ =	shalt  }
0x42: {  	_ =	shalt  }
0x43: {  	_ =	shalt  }
0x44: {  	_ =	shalt  }
0x45: {  	_ =	shalt  }
0x46: {  	_ =	shalt  }
0x47: {  	_ =	shalt  }
0x48: {  	_ =	shalt  }
0x49: {  	_ =	shalt  }
0x4a: {  	_ =	shalt  }
0x4b: {  	_ =	shalt  }
0x4c: {  	_ =	shalt  }
0x4d: {  	_ =	shalt  }
0x4e: {  	_ =	shalt  }
0x4f: {  	_ =	shalt  }
0x50: {  	_ =	shalt  }
0x51: {  	_ =	shalt  }
0x52: {  	_ =	shalt  }
0x53: {  	_ =	shalt  }
0x54: {  	_ =	shalt  }
0x55: {  	_ =	shalt  }
0x56: {  	_ =	shalt  }
0x57: {  	_ =	shalt  }
0x58: {  	_ =	shalt  }
0x59: {  	_ =	shalt  }
0x5a: {  	_ =	shalt  }
0x5b: {  	_ =	shalt  }
0x5c: {  	_ =	shalt  }
0x5d: {  	_ =	shalt  }
0x5e: {  	_ =	shalt  }
0x5f: {  	_ =	shalt  }
0x60: {  	_ =	shalt  }
0x61: {  	_ =	shalt  }
0x62: {  	_ =	shalt  }
0x63: {  	_ =	shalt  }
0x64: {  	_ =	shalt  }
0x65: {  	_ =	shalt  }
0x66: {  	_ =	shalt  }
0x67: {  	_ =	shalt  }
0x68: {  	_ =	shalt  }
0x69: {  	_ =	shalt  }
0x6a: {  	_ =	shalt  }
0x6b: {  	_ =	shalt  }
0x6c: {  	_ =	shalt  }
0x6d: {  	_ =	shalt  }
0x6e: {  	_ =	shalt  }
0x6f: {  	_ =	shalt  }
0x70: {  	_ =	shalt  }
0x71: {  	_ =	shalt  }
0x72: {  	_ =	shalt  }
0x73: {  	_ =	shalt  }
0x74: {  	_ =	shalt  }
0x75: {  	_ =	shalt  }
0x76: {  	_ =	shalt  }
0x77: {  	_ =	shalt  }
0x78: {  	_ =	shalt  }
0x79: {  	_ =	shalt  }
0x7a: {  	_ =	shalt  }
0x7b: {  	_ =	shalt  }
0x7c: {  	_ =	shalt  }
0x7d: {  	_ =	shalt  }
0x7e: {  	_ =	shalt  }
0x7f: {  	_ =	shalt  }
0x80: {  	_ =	shalt  }
0x81: {  	_ =	shalt  }
0x82: {  	_ =	shalt  }
0x83: {  	_ =	shalt  }
0x84: {  	_ =	shalt  }
0x85: {  	_ =	shalt  }
0x86: {  	_ =	shalt  }
0x87: {  	_ =	shalt  }
.Lfunc_end0:
.L_simem_size_0:
called_computation.1_lowered:
.L_overlay_start_0:
0x88: {  	s2 =	sld [smem:$0x3FD9]  }
0x89: {  	s3 =	sld [smem:$0x3FFE];
	_ =	sdelay $0x1  }
0x8a: {  	s1 =	srdreg.scid  }
0x8b: {  	s0 =	sand.u32 $0x1, s1  }
0x8c: {  	s17 =	sshll.u32 s0, $0xA;
	s2 =	sadd.s32 s3, s2  }
0x8d: {  	s2 =	sadd.s32 s2, s17  }
0x8e: {  	[smem:$0x3FC3] =	sst s2  }
0x8f: {  	_ = 	snop  }
0x90: {  	s2 =	sld [smem:$0x3FD0];
	(tm) =	ssettm $0x1  }
0x91: {  	s18 =	sld [smem:$0x3FFB];
	_ =	sdelay $0x3  }
0x92: {  	_ =	strace s18  }
0x93: {  	s3 =	sld [smem:$0x3FFC];
	_ =	sdelay $0x3  }
0x94: {  	_ =	strace s3  }
0x95: {  	s3 =	sld [smem:$0x3FFD];
	_ =	sdelay $0x3  }
0x96: {  	_ =	strace s3  }
0x97: {  	_ =	strace $0x8FFFFFFF  }
0x98: {  	s19 =	sld [smem:$0x3FDB];
	_ =	sdelay $0x1  }
0x99: {  	s4 =	simm.s32 $_scs_section_size  }
0x9a: {  	s5 =	simm.s32 $_size__tile_overlayer_lowered;
	s6 =	simm.s32 $_tile_overlayer_lowered  }
0x9b: {  	s22 =	simm.s32 $0x1BFF;
	s21 =	sshll.u32 s6, $0x1;
	s3 =	sadd.s32 s4, s19  }
0x9c: {  	s7 =	simm.s32 $0x0;
	s20 =	sshll.u32 s5, $0x1;
	s5 =	sadd.s32 s21, s3  }
0x9d: {  	[timem:s7], [sflag:s22] =	dma.local [hbm:s5], s20  }
0x9e: {  	_ =	swait.ge [sflag:s22], s20  }
0x9f: {  	s4 =	ssub.s32 $0x0, s20;
	[sflag:s22] =	ssyncset.done $0x0  }
0xa0: {  	[sflag:s22] =	ssyncadd.s32 s4;
	_ =	sdelay $0x1  }
0xa1: {  	s23 =	simm.s32 $0x1B8B  }
0xa2: {  	_ =	swait.ge [sflag:s23], $0x1  }
0xa3: {  	[sflag:s23] =	ssyncset.done $0x0  }
0xa4: {  	s25 =	simm.s32 $0x1B8E;
	s24 =	sld [smem:$0x3FFE];
	[sflag:s23] =	ssyncadd.s32 $0xFFFFFFFF  }
0xa5: {  	s26 =	simm.s32 $execute0_lowered;
	[smem:$0x3FD2] =	sst s25  }
0xa6: {  	s5 =	sshll.u32 s26, $0x1;
	_ =	strace $0x80000049;
	[dreg:$0x1] =	wrdreg $0xFFFFFFFF  }
0xa7: {  	s28 =	simm.s32 $_size_execute0_lowered;
	s3 =	sadd.s32 s3, s5;
	[dreg:$0x0] =	wrdreg $0x0  }
0xa8: {  	s5 =	sshll.u32 s28, $0x1;
	[dreg:$0x2] =	wrdreg s3  }
0xa9: {  	[dreg:$0x3] =	wrdreg s5  }
0xaa: {  	[dreg:$0x4] =	wrdreg $0xC0  }
0xab: {  	_ =	task [dreg:s7], $0x5FFFF  }
0xac: {  	[dreg:$0x1] =	wrdreg $0xFFFFFFFF  }
0xad: {  	[dreg:$0x0] =	wrdreg $0x60  }
0xae: {  	[dreg:$0x2] =	wrdreg s24  }
0xaf: {  	[dreg:$0x3] =	wrdreg s2  }
0xb0: {  	[dreg:$0x4] =	wrdreg $0x9  }
0xb1: {  	_ =	task.clear_ibuf [dreg:s7], $0x5FFFF;
	_ =	strace $0x90000049  }
0xb2: {  	s29 =	simm.s32 $0x9;
	_ =	strace $0x8000004B  }
0xb3: {  	_ =	swait.ge [sflag:s29], $0x1  }
0xb4: {  	[sflag:s29] =	ssyncadd.s32 $0xFFFFFFFF  }
0xb5: {  	_ =	strace $0x9000004B  }
0xb6: {  	_ =	sfence  }
0xb7: {  	s30 =	sld [smem:$0x0];
	_ =	sdelay $0x2  }
0xb8: {  	s31 =	sshll.u32 s1, $0xD;
	s1 =	sshrl.u32 s1, $0x2  }
0xb9: {  	s3 =	sand.u32 $0x4000, s31;
	s1 =	sadd.s32 s1, s30  }
0xba: {  	s0 =	sor.u32 s3, s0;
	s1 =	sshll.u32 s1, $0x11  }
0xbb: {  	s0 =	sor.u32 s1, s0  }
0xbc: {  	s0 =	sadd.s32 $0x8F2B, s0  }
0xbd: {  	[sflag:s0] =	ssyncadd.remote.s32 $0x1  }
0xbe: {  	_ =	sfence.sel $0xFFFF  }
0xbf: {  	[dreg:$0x0] =	wrdreg $0xFFFFFFFF;
	(pc) =	sbr.abs _section_cstart, $3  }
0xc0: {  	[dreg:$0x1] =	wrdreg $0xFFFFFFFF  }
0xc1: {  	_ =	task.clear_ibuf [dreg:s7], $0x2FFFF;
	_ =	strace $0x9FFFFFFF  }
0xc2: {  	(tm) =	ssettm $0x7FFFFFFF  }
0xc3: {  	_ =	shalt  }
tec
execute0_lowered:
.L_overlay_start_1:
0x0: {  	(tag) =	ssettag $0x1  }
0x1: {  	s0 =	rddreg [dreg:$0x0]  }
0x2: {  	s1 =	rddreg [dreg:$0x1]  }
0x3: {  	s2 =	srdreg.scid;
	s4 =	stileid.u32;
	s18 =	simm.s32 $0x1  }
0x4: {  	s20 =	simm.s32 $0x880;
	s21 =	simm.s32 $0x1080;
	s28 =	simm.s32 $0x4080  }
0x5: {  	s29 =	simm.s32 $0x4880;
	s30 =	simm.s32 $0x5080;
	s31 =	simm.s32 $0x5880  }
0x6: {  	s11 =	simm.s32 $0x7880;
	s12 =	simm.s32 $0x8080;
	s13 =	simm.s32 $0x8880  }
0x7: {  	s14 =	simm.s32 $0x9080;
	s15 =	simm.s32 $0x9880;
	s16 =	simm.s32 $0xA080  }
0x8: {  	s17 =	simm.s32 $0xA880;
	s3 =	sand.u32 $0x1, s2;
	s2 =	simm.s32 $0x0  }
0x9: {  	s4 =	sshll.u32 s4, $0x8;
	s6 =	sadd.s32 $0xC00, s0;
	s5 =	sshll.u32 s3, $0x7  }
0xa: {  	[smem:$0x7FF] =	sst s2;
	s22 =	ssub.s32 $0x2, s3;
	s3 =	sadd.s32 $0x92E00, s0  }
0xb: {  	s5 =	sor.u32 s5, s4;
	_ =	strace $0x8000004A;
	s7 =	sshrl.u32 s22, $0x1  }
0xc: {  	s4 =	sadd.s32 $0x92F00, s0;
	s23 =	sshrl.u32 s5, $0x3;
	s7 =	ssub.s32 s22, s7  }
0xd: {  	s24 =	sshll.u32 s5, $0x7;
	s9 =	sor.u32 $0x40, s5;
	s5 =	sadd.s32 $0x93000, s0  }
0xe: {  	s22 =	simm.s32 $0x1880;
	s8 =	sadd.s32 s6, s23;
	s10 =	sshrl.u32 s9, $0x3  }
0xf: {  	s9 =	sshll.u32 s9, $0x7;
	s7 =	smax.u32 s7, $0x1;
	s23 =	simm.s32 $0x2080  }
0x10: {  	[dreg:$0x3] =	wrdreg s8;
	s8 =	sadd.s32 s1, s24;
	s25 =	sadd.s32 s6, s10  }
0x11: {  	s6 =	sadd.s32 $0x93100, s0;
	s26 =	sadd.s32 s1, s9;
	[dreg:$0x4] =	wrdreg s8  }
0x12: {  	v2 =	vlaneseq.u32;
	s0 =	simm.s32 $0x80;
	s24 =	simm.s32 $0x2880;
	[dreg:$0x5] =	wrdreg s25  }
0x13: {  	vm0 =	vmmov $0xffff;
	v1 =	vshrl.u32 v2, $0x3;
	s10 =	simm.s32 $0x7080;
	s9 =	simm.s32 $0xB080;
	[dreg:$0x6] =	wrdreg s26  }
0x14: {  	v0 =	vand.u32 $0x7, v2;
	v2 =	vor.u32 $0x8, v2;
	v1 =	vmul.u32 $0x8, v1;
	s8 =	simm.s32 $0x2;
	s25 =	simm.s32 $0x3080;
	s26 =	simm.s32 $0x3880  }
.LBB2_1:
0x15: {  	s19 =	rddreg [dreg:$0x3]  }
0x16: {  	[tilespmem:s2], [sflag:$0x2] =	stream.linear.gather [hbm4b:s19+s2], $0x40, $0x38;
	[tilespmem:$0x10080] =	vst v63  }
0x17: {  	_ =	swait.ge [sflag:s8], $0x40  }
0x18: {  	[sflag:s8] =	ssyncset.done $0x0  }
0x19: {  	[sflag:s8] =	ssyncadd.s32 $0xFFFFFFC0  }
0x1a: {  	v3 =	vld [tilespmem:$0x0];
	_ =	sdelay $0x4  }
0x1b: {  	v4 =	vshll.u32 v3, $0x3  }
0x1c: {  	v3 =	vand.u32 $0x7, v3;
	v4 =	vand.u32 $0xFFFFFFC0, v4  }
0x1d: {  	v3 =	vor.u32 v3, v4  }
0x1e: {  	v4 =	vperm.xlane v3, v0;
	_ =	sdelay $0x1  }
0x1f: {  	v4 =	vadd.s32 v1, v4;
	_ =	sdelay $0x4  }
0x20: {  	[tilespmem:s0], [sflag:$0x1] =	stream.indirect_vreg.gather [hbm4b:s3+s2], $0x80, v4, vm0, $0xb8;
	[tilespmem:$0x10080] =	vst v63  }
0x21: {  	v3 =	vperm.xlane v3, v2  }
0x22: {  	[tilespmem:s20], [sflag:$0x1] =	stream.indirect_vreg.gather [hbm4b:s4+s2], $0x80, v4, vm0, $0xb8;
	[tilespmem:$0x10080] =	vst v63  }
0x23: {  	v3 =	vadd.s32 v1, v3  }
0x24: {  	[tilespmem:s21], [sflag:$0x1] =	stream.indirect_vreg.gather [hbm4b:s5+s2], $0x80, v4, vm0, $0xb8;
	[tilespmem:$0x10080] =	vst v63  }
0x25: {  	_ = 	snop  }
0x26: {  	[tilespmem:s22], [sflag:$0x1] =	stream.indirect_vreg.gather [hbm4b:s6+s2], $0x80, v4, vm0, $0xb8;
	[tilespmem:$0x10080] =	vst v63  }
0x27: {  	_ = 	snop  }
0x28: {  	[tilespmem:s23], [sflag:$0x1] =	stream.indirect_vreg.gather [hbm4b:s3+s2], $0x80, v3, vm0, $0xb8;
	[tilespmem:$0x10080] =	vst v63  }
0x29: {  	_ = 	snop  }
0x2a: {  	[tilespmem:s24], [sflag:$0x1] =	stream.indirect_vreg.gather [hbm4b:s4+s2], $0x80, v3, vm0, $0xb8;
	[tilespmem:$0x10080] =	vst v63  }
0x2b: {  	_ = 	snop  }
0x2c: {  	[tilespmem:s25], [sflag:$0x1] =	stream.indirect_vreg.gather [hbm4b:s5+s2], $0x80, v3, vm0, $0xb8;
	[tilespmem:$0x10080] =	vst v63  }
0x2d: {  	_ = 	snop  }
0x2e: {  	[tilespmem:s26], [sflag:$0x1] =	stream.indirect_vreg.gather [hbm4b:s6+s2], $0x80, v3, vm0, $0xb8;
	[tilespmem:$0x10080] =	vst v63  }
0x2f: {  	v3 =	vld [tilespmem:$0x10];
	_ =	sdelay $0x4  }
0x30: {  	v57 =	vshll.u32 v3, $0x3  }
0x31: {  	v3 =	vand.u32 $0x7, v3;
	v4 =	vand.u32 $0xFFFFFFC0, v57  }
0x32: {  	v3 =	vor.u32 v3, v4  }
0x33: {  	v4 =	vperm.xlane v3, v0;
	_ =	sdelay $0x1  }
0x34: {  	v4 =	vadd.s32 v1, v4;
	_ =	sdelay $0x4  }
0x35: {  	[tilespmem:s28], [sflag:$0x1] =	stream.indirect_vreg.gather [hbm4b:s3+s2], $0x80, v4, vm0, $0xb8;
	[tilespmem:$0x10080] =	vst v63  }
0x36: {  	v3 =	vperm.xlane v3, v2  }
0x37: {  	[tilespmem:s29], [sflag:$0x1] =	stream.indirect_vreg.gather [hbm4b:s4+s2], $0x80, v4, vm0, $0xb8;
	[tilespmem:$0x10080] =	vst v63  }
0x38: {  	v3 =	vadd.s32 v1, v3  }
0x39: {  	[tilespmem:s30], [sflag:$0x1] =	stream.indirect_vreg.gather [hbm4b:s5+s2], $0x80, v4, vm0, $0xb8;
	[tilespmem:$0x10080] =	vst v63  }
0x3a: {  	_ = 	snop  }
0x3b: {  	[tilespmem:s31], [sflag:$0x1] =	stream.indirect_vreg.gather [hbm4b:s6+s2], $0x80, v4, vm0, $0xb8;
	[tilespmem:$0x10080] =	vst v63  }
0x3c: {  	s1 =	simm.s32 $0x6080  }
0x3d: {  	[tilespmem:s1], [sflag:$0x1] =	stream.indirect_vreg.gather [hbm4b:s3+s2], $0x80, v3, vm0, $0xb8;
	[tilespmem:$0x10080] =	vst v63  }
0x3e: {  	s1 =	simm.s32 $0x6880  }
0x3f: {  	[tilespmem:s1], [sflag:$0x1] =	stream.indirect_vreg.gather [hbm4b:s4+s2], $0x80, v3, vm0, $0xb8;
	[tilespmem:$0x10080] =	vst v63  }
0x40: {  	_ = 	snop  }
0x41: {  	[tilespmem:s10], [sflag:$0x1] =	stream.indirect_vreg.gather [hbm4b:s5+s2], $0x80, v3, vm0, $0xb8;
	[tilespmem:$0x10080] =	vst v63  }
0x42: {  	_ = 	snop  }
0x43: {  	[tilespmem:s11], [sflag:$0x1] =	stream.indirect_vreg.gather [hbm4b:s6+s2], $0x80, v3, vm0, $0xb8;
	[tilespmem:$0x10080] =	vst v63  }
0x44: {  	v3 =	vld [tilespmem:$0x20];
	_ =	sdelay $0x4  }
0x45: {  	v58 =	vshll.u32 v3, $0x3  }
0x46: {  	v3 =	vand.u32 $0x7, v3;
	v4 =	vand.u32 $0xFFFFFFC0, v58  }
0x47: {  	v3 =	vor.u32 v3, v4  }
0x48: {  	v4 =	vperm.xlane v3, v0;
	_ =	sdelay $0x1  }
0x49: {  	v4 =	vadd.s32 v1, v4;
	_ =	sdelay $0x4  }
0x4a: {  	[tilespmem:s12], [sflag:$0x1] =	stream.indirect_vreg.gather [hbm4b:s3+s2], $0x80, v4, vm0, $0xb8;
	[tilespmem:$0x10080] =	vst v63  }
0x4b: {  	v3 =	vperm.xlane v3, v2  }
0x4c: {  	[tilespmem:s13], [sflag:$0x1] =	stream.indirect_vreg.gather [hbm4b:s4+s2], $0x80, v4, vm0, $0xb8;
	[tilespmem:$0x10080] =	vst v63  }
0x4d: {  	v3 =	vadd.s32 v1, v3  }
0x4e: {  	[tilespmem:s14], [sflag:$0x1] =	stream.indirect_vreg.gather [hbm4b:s5+s2], $0x80, v4, vm0, $0xb8;
	[tilespmem:$0x10080] =	vst v63  }
0x4f: {  	_ = 	snop  }
0x50: {  	[tilespmem:s15], [sflag:$0x1] =	stream.indirect_vreg.gather [hbm4b:s6+s2], $0x80, v4, vm0, $0xb8;
	[tilespmem:$0x10080] =	vst v63  }
0x51: {  	_ = 	snop  }
0x52: {  	[tilespmem:s16], [sflag:$0x1] =	stream.indirect_vreg.gather [hbm4b:s3+s2], $0x80, v3, vm0, $0xb8;
	[tilespmem:$0x10080] =	vst v63  }
0x53: {  	_ = 	snop  }
0x54: {  	[tilespmem:s17], [sflag:$0x1] =	stream.indirect_vreg.gather [hbm4b:s4+s2], $0x80, v3, vm0, $0xb8;
	[tilespmem:$0x10080] =	vst v63  }
0x55: {  	_ = 	snop  }
0x56: {  	[tilespmem:s9], [sflag:$0x1] =	stream.indirect_vreg.gather [hbm4b:s5+s2], $0x80, v3, vm0, $0xb8;
	[tilespmem:$0x10080] =	vst v63  }
0x57: {  	s19 =	simm.s32 $0xB880  }
0x58: {  	[tilespmem:s19], [sflag:$0x1] =	stream.indirect_vreg.gather [hbm4b:s6+s2], $0x80, v3, vm0, $0xb8;
	[tilespmem:$0x10080] =	vst v63  }
0x59: {  	v3 =	vld [tilespmem:$0x30];
	_ =	sdelay $0x4  }
0x5a: {  	v59 =	vshll.u32 v3, $0x3  }
0x5b: {  	v3 =	vand.u32 $0x7, v3;
	v4 =	vand.u32 $0xFFFFFFC0, v59  }
0x5c: {  	v3 =	vor.u32 v3, v4  }
0x5d: {  	v4 =	vperm.xlane v3, v0;
	_ =	sdelay $0x1  }
0x5e: {  	v4 =	vadd.s32 v1, v4;
	_ =	sdelay $0x3  }
0x5f: {  	s19 =	simm.s32 $0xC080  }
0x60: {  	[tilespmem:s19], [sflag:$0x1] =	stream.indirect_vreg.gather [hbm4b:s3+s2], $0x80, v4, vm0, $0xb8;
	[tilespmem:$0x10080] =	vst v63  }
0x61: {  	v3 =	vperm.xlane v3, v2;
	s19 =	simm.s32 $0xC880  }
0x62: {  	[tilespmem:s19], [sflag:$0x1] =	stream.indirect_vreg.gather [hbm4b:s4+s2], $0x80, v4, vm0, $0xb8;
	[tilespmem:$0x10080] =	vst v63  }
0x63: {  	v3 =	vadd.s32 v1, v3;
	s19 =	simm.s32 $0xD080  }
0x64: {  	[tilespmem:s19], [sflag:$0x1] =	stream.indirect_vreg.gather [hbm4b:s5+s2], $0x80, v4, vm0, $0xb8;
	[tilespmem:$0x10080] =	vst v63  }
0x65: {  	s19 =	simm.s32 $0xD880  }
0x66: {  	[tilespmem:s19], [sflag:$0x1] =	stream.indirect_vreg.gather [hbm4b:s6+s2], $0x80, v4, vm0, $0xb8;
	[tilespmem:$0x10080] =	vst v63  }
0x67: {  	s19 =	simm.s32 $0xE080  }
0x68: {  	[tilespmem:s19], [sflag:$0x1] =	stream.indirect_vreg.gather [hbm4b:s3+s2], $0x80, v3, vm0, $0xb8;
	[tilespmem:$0x10080] =	vst v63  }
0x69: {  	s19 =	simm.s32 $0xE880  }
0x6a: {  	[tilespmem:s19], [sflag:$0x1] =	stream.indirect_vreg.gather [hbm4b:s4+s2], $0x80, v3, vm0, $0xb8;
	[tilespmem:$0x10080] =	vst v63  }
0x6b: {  	s19 =	simm.s32 $0xF080  }
0x6c: {  	[tilespmem:s19], [sflag:$0x1] =	stream.indirect_vreg.gather [hbm4b:s5+s2], $0x80, v3, vm0, $0xb8;
	[tilespmem:$0x10080] =	vst v63  }
0x6d: {  	s19 =	simm.s32 $0xF880  }
0x6e: {  	[tilespmem:s19], [sflag:$0x1] =	stream.indirect_vreg.gather [hbm4b:s6+s2], $0x80, v3, vm0, $0xb8;
	[tilespmem:$0x10080] =	vst v63  }
0x6f: {  	_ =	swait.ge [sflag:s18], $0x10000  }
0x70: {  	[sflag:s18] =	ssyncset.done $0x0  }
0x71: {  	s19 =	rddreg [dreg:$0x4];
	[sflag:s18] =	ssyncadd.s32 $0xFFFF0000  }
0x72: {  	[hbm4b:s19+s2] =	stream.linear.scatter [tilespmem:s0], [sflag:$0x2], $0x10000, $0x38;
	[tilespmem:$0x10080] =	vst v63  }
0x73: {  	_ =	swait.ge [sflag:s8], $0x10000  }
0x74: {  	[sflag:s8] =	ssyncset.done $0x0  }
0x75: {  	s19 =	rddreg [dreg:$0x5];
	[sflag:s8] =	ssyncadd.s32 $0xFFFF0000  }
0x76: {  	[tilespmem:s2], [sflag:$0x2] =	stream.linear.gather [hbm4b:s19+s2], $0x40, $0x38;
	[tilespmem:$0x10080] =	vst v63  }
0x77: {  	_ =	swait.ge [sflag:s8], $0x40  }
0x78: {  	[sflag:s8] =	ssyncset.done $0x0  }
0x79: {  	[sflag:s8] =	ssyncadd.s32 $0xFFFFFFC0  }
0x7a: {  	v3 =	vld [tilespmem:$0x0];
	_ =	sdelay $0x4  }
0x7b: {  	v60 =	vshll.u32 v3, $0x3  }
0x7c: {  	v3 =	vand.u32 $0x7, v3;
	v4 =	vand.u32 $0xFFFFFFC0, v60  }
0x7d: {  	v3 =	vor.u32 v3, v4  }
0x7e: {  	v4 =	vperm.xlane v3, v0;
	_ =	sdelay $0x1  }
0x7f: {  	v4 =	vadd.s32 v1, v4;
	_ =	sdelay $0x4  }
0x80: {  	[tilespmem:s0], [sflag:$0x1] =	stream.indirect_vreg.gather [hbm4b:s3+s2], $0x80, v4, vm0, $0xb8;
	[tilespmem:$0x10080] =	vst v63  }
0x81: {  	v3 =	vperm.xlane v3, v2  }
0x82: {  	[tilespmem:s20], [sflag:$0x1] =	stream.indirect_vreg.gather [hbm4b:s4+s2], $0x80, v4, vm0, $0xb8;
	[tilespmem:$0x10080] =	vst v63  }
0x83: {  	v3 =	vadd.s32 v1, v3  }
0x84: {  	[tilespmem:s21], [sflag:$0x1] =	stream.indirect_vreg.gather [hbm4b:s5+s2], $0x80, v4, vm0, $0xb8;
	[tilespmem:$0x10080] =	vst v63  }
0x85: {  	_ = 	snop  }
0x86: {  	[tilespmem:s22], [sflag:$0x1] =	stream.indirect_vreg.gather [hbm4b:s6+s2], $0x80, v4, vm0, $0xb8;
	[tilespmem:$0x10080] =	vst v63  }
0x87: {  	_ = 	snop  }
0x88: {  	[tilespmem:s23], [sflag:$0x1] =	stream.indirect_vreg.gather [hbm4b:s3+s2], $0x80, v3, vm0, $0xb8;
	[tilespmem:$0x10080] =	vst v63  }
0x89: {  	_ = 	snop  }
0x8a: {  	[tilespmem:s24], [sflag:$0x1] =	stream.indirect_vreg.gather [hbm4b:s4+s2], $0x80, v3, vm0, $0xb8;
	[tilespmem:$0x10080] =	vst v63  }
0x8b: {  	_ = 	snop  }
0x8c: {  	[tilespmem:s25], [sflag:$0x1] =	stream.indirect_vreg.gather [hbm4b:s5+s2], $0x80, v3, vm0, $0xb8;
	[tilespmem:$0x10080] =	vst v63  }
0x8d: {  	_ = 	snop  }
0x8e: {  	[tilespmem:s26], [sflag:$0x1] =	stream.indirect_vreg.gather [hbm4b:s6+s2], $0x80, v3, vm0, $0xb8;
	[tilespmem:$0x10080] =	vst v63  }
0x8f: {  	v3 =	vld [tilespmem:$0x10];
	_ =	sdelay $0x4  }
0x90: {  	v61 =	vshll.u32 v3, $0x3  }
0x91: {  	v3 =	vand.u32 $0x7, v3;
	v4 =	vand.u32 $0xFFFFFFC0, v61  }
0x92: {  	v3 =	vor.u32 v3, v4  }
0x93: {  	v4 =	vperm.xlane v3, v0;
	_ =	sdelay $0x1  }
0x94: {  	v4 =	vadd.s32 v1, v4;
	_ =	sdelay $0x4  }
0x95: {  	[tilespmem:s28], [sflag:$0x1] =	stream.indirect_vreg.gather [hbm4b:s3+s2], $0x80, v4, vm0, $0xb8;
	[tilespmem:$0x10080] =	vst v63  }
0x96: {  	v3 =	vperm.xlane v3, v2  }
0x97: {  	[tilespmem:s29], [sflag:$0x1] =	stream.indirect_vreg.gather [hbm4b:s4+s2], $0x80, v4, vm0, $0xb8;
	[tilespmem:$0x10080] =	vst v63  }
0x98: {  	v3 =	vadd.s32 v1, v3  }
0x99: {  	[tilespmem:s30], [sflag:$0x1] =	stream.indirect_vreg.gather [hbm4b:s5+s2], $0x80, v4, vm0, $0xb8;
	[tilespmem:$0x10080] =	vst v63  }
0x9a: {  	_ = 	snop  }
0x9b: {  	[tilespmem:s31], [sflag:$0x1] =	stream.indirect_vreg.gather [hbm4b:s6+s2], $0x80, v4, vm0, $0xb8;
	[tilespmem:$0x10080] =	vst v63  }
0x9c: {  	s19 =	simm.s32 $0x6080  }
0x9d: {  	[tilespmem:s19], [sflag:$0x1] =	stream.indirect_vreg.gather [hbm4b:s3+s2], $0x80, v3, vm0, $0xb8;
	[tilespmem:$0x10080] =	vst v63  }
0x9e: {  	_ = 	snop  }
0x9f: {  	[tilespmem:s1], [sflag:$0x1] =	stream.indirect_vreg.gather [hbm4b:s4+s2], $0x80, v3, vm0, $0xb8;
	[tilespmem:$0x10080] =	vst v63  }
0xa0: {  	_ = 	snop  }
0xa1: {  	[tilespmem:s10], [sflag:$0x1] =	stream.indirect_vreg.gather [hbm4b:s5+s2], $0x80, v3, vm0, $0xb8;
	[tilespmem:$0x10080] =	vst v63  }
0xa2: {  	_ = 	snop  }
0xa3: {  	[tilespmem:s11], [sflag:$0x1] =	stream.indirect_vreg.gather [hbm4b:s6+s2], $0x80, v3, vm0, $0xb8;
	[tilespmem:$0x10080] =	vst v63  }
0xa4: {  	v3 =	vld [tilespmem:$0x20];
	_ =	sdelay $0x4  }
0xa5: {  	v62 =	vshll.u32 v3, $0x3  }
0xa6: {  	v3 =	vand.u32 $0x7, v3;
	v4 =	vand.u32 $0xFFFFFFC0, v62  }
0xa7: {  	v3 =	vor.u32 v3, v4  }
0xa8: {  	v4 =	vperm.xlane v3, v0;
	_ =	sdelay $0x1  }
0xa9: {  	v4 =	vadd.s32 v1, v4;
	_ =	sdelay $0x4  }
0xaa: {  	[tilespmem:s12], [sflag:$0x1] =	stream.indirect_vreg.gather [hbm4b:s3+s2], $0x80, v4, vm0, $0xb8;
	[tilespmem:$0x10080] =	vst v63  }
0xab: {  	v3 =	vperm.xlane v3, v2  }
0xac: {  	[tilespmem:s13], [sflag:$0x1] =	stream.indirect_vreg.gather [hbm4b:s4+s2], $0x80, v4, vm0, $0xb8;
	[tilespmem:$0x10080] =	vst v63  }
0xad: {  	v3 =	vadd.s32 v1, v3  }
0xae: {  	[tilespmem:s14], [sflag:$0x1] =	stream.indirect_vreg.gather [hbm4b:s5+s2], $0x80, v4, vm0, $0xb8;
	[tilespmem:$0x10080] =	vst v63  }
0xaf: {  	_ = 	snop  }
0xb0: {  	[tilespmem:s15], [sflag:$0x1] =	stream.indirect_vreg.gather [hbm4b:s6+s2], $0x80, v4, vm0, $0xb8;
	[tilespmem:$0x10080] =	vst v63  }
0xb1: {  	_ = 	snop  }
0xb2: {  	[tilespmem:s16], [sflag:$0x1] =	stream.indirect_vreg.gather [hbm4b:s3+s2], $0x80, v3, vm0, $0xb8;
	[tilespmem:$0x10080] =	vst v63  }
0xb3: {  	_ = 	snop  }
0xb4: {  	[tilespmem:s17], [sflag:$0x1] =	stream.indirect_vreg.gather [hbm4b:s4+s2], $0x80, v3, vm0, $0xb8;
	[tilespmem:$0x10080] =	vst v63  }
0xb5: {  	_ = 	snop  }
0xb6: {  	[tilespmem:s9], [sflag:$0x1] =	stream.indirect_vreg.gather [hbm4b:s5+s2], $0x80, v3, vm0, $0xb8;
	[tilespmem:$0x10080] =	vst v63  }
0xb7: {  	s19 =	simm.s32 $0xB880  }
0xb8: {  	[tilespmem:s19], [sflag:$0x1] =	stream.indirect_vreg.gather [hbm4b:s6+s2], $0x80, v3, vm0, $0xb8;
	[tilespmem:$0x10080] =	vst v63  }
0xb9: {  	v3 =	vld [tilespmem:$0x30];
	_ =	sdelay $0x4  }
0xba: {  	v63 =	vshll.u32 v3, $0x3  }
0xbb: {  	v3 =	vand.u32 $0x7, v3;
	v4 =	vand.u32 $0xFFFFFFC0, v63  }
0xbc: {  	v3 =	vor.u32 v3, v4  }
0xbd: {  	v4 =	vperm.xlane v3, v0;
	_ =	sdelay $0x1  }
0xbe: {  	v4 =	vadd.s32 v1, v4;
	_ =	sdelay $0x3  }
0xbf: {  	s19 =	simm.s32 $0xC080  }
0xc0: {  	[tilespmem:s19], [sflag:$0x1] =	stream.indirect_vreg.gather [hbm4b:s3+s2], $0x80, v4, vm0, $0xb8;
	[tilespmem:$0x10080] =	vst v63  }
0xc1: {  	v3 =	vperm.xlane v3, v2;
	s19 =	simm.s32 $0xC880  }
0xc2: {  	[tilespmem:s19], [sflag:$0x1] =	stream.indirect_vreg.gather [hbm4b:s4+s2], $0x80, v4, vm0, $0xb8;
	[tilespmem:$0x10080] =	vst v63  }
0xc3: {  	v3 =	vadd.s32 v1, v3;
	s19 =	simm.s32 $0xD080  }
0xc4: {  	[tilespmem:s19], [sflag:$0x1] =	stream.indirect_vreg.gather [hbm4b:s5+s2], $0x80, v4, vm0, $0xb8;
	[tilespmem:$0x10080] =	vst v63  }
0xc5: {  	s19 =	simm.s32 $0xD880  }
0xc6: {  	[tilespmem:s19], [sflag:$0x1] =	stream.indirect_vreg.gather [hbm4b:s6+s2], $0x80, v4, vm0, $0xb8;
	[tilespmem:$0x10080] =	vst v63  }
0xc7: {  	s19 =	simm.s32 $0xE080  }
0xc8: {  	[tilespmem:s19], [sflag:$0x1] =	stream.indirect_vreg.gather [hbm4b:s3+s2], $0x80, v3, vm0, $0xb8;
	[tilespmem:$0x10080] =	vst v63  }
0xc9: {  	s19 =	simm.s32 $0xE880  }
0xca: {  	[tilespmem:s19], [sflag:$0x1] =	stream.indirect_vreg.gather [hbm4b:s4+s2], $0x80, v3, vm0, $0xb8;
	[tilespmem:$0x10080] =	vst v63  }
0xcb: {  	s19 =	simm.s32 $0xF080  }
0xcc: {  	[tilespmem:s19], [sflag:$0x1] =	stream.indirect_vreg.gather [hbm4b:s5+s2], $0x80, v3, vm0, $0xb8;
	[tilespmem:$0x10080] =	vst v63  }
0xcd: {  	s19 =	simm.s32 $0xF880  }
0xce: {  	[tilespmem:s19], [sflag:$0x1] =	stream.indirect_vreg.gather [hbm4b:s6+s2], $0x80, v3, vm0, $0xb8;
	[tilespmem:$0x10080] =	vst v63  }
0xcf: {  	_ =	swait.ge [sflag:s18], $0x10000  }
0xd0: {  	p0 =	sne.s32 s7, $0x1;
	[sflag:s18] =	ssyncset.done $0x0  }
.Ltmp0:
0xd1: {  	s1 =	rddreg [dreg:$0x6];
	[sflag:s18] =	ssyncadd.s32 $0xFFFF0000;
	(pc) =	sbr.rel @p0 .LBB2_1-.Ltmp0, $4  }
0xd2: {  	[hbm4b:s1+s2] =	stream.linear.scatter [tilespmem:s0], [sflag:$0x2], $0x10000, $0x38;
	[tilespmem:$0x10080] =	vst v63  }
0xd3: {  	_ =	swait.ge [sflag:s8], $0x10000  }
0xd4: {  	[sflag:s8] =	ssyncset.done $0x0  }
0xd5: {  	s7 =	sadd.s32 $0xFFFFFFFF, s7;
	[sflag:s8] =	ssyncadd.s32 $0xFFFF0000  }
0xd6: {  	_ =	sfence.sel $0x180000  }
0xd7: {  	[bflag:$0x0] =	sbarrier.arrive $0xFFFF  }
0xd8: {  	_ =	strace $0x9000004A  }
0xd9: {  	s0 =	stileid.u32;
	[bflag:$0x2] =	sbarrier.arrive $0xFFFF  }
0xda: {  	p0 =	sne.s32 s0, $0x0;
	s0 =	rddreg [dreg:$0x2]  }
0xdb: {  	s0 =	sadd.s32 @!p0 $0x100000, s0  }
0xdc: {  	[sflag:s0] =	ssyncadd.tile.s32 @!p0 $0x1;
	_ =	shalt  }
.Lfunc_end2:
_tile_overlayer_lowered:
.L_overlay_start_2:
0xdd: {  	(tag) =	ssettag $0x2  }
0xde: {  	s0 =	rddreg [dreg:$0x0];
	s2 =	stileid.u32  }
0xdf: {  	s1 =	rddreg [dreg:$0x1];
	p0 =	sne.s32 s2, $0x0  }
0xe0: {  	s3 =	rddreg [dreg:$0x2];
	[bflag:$0x3] =	sbarrier.arrive $0xFFFF;
	s2 =	simm.s32 @!p0 $0x1C02  }
0xe1: {  	[timem:s3], [sflag:s2] =	dma.local @!p0 [hbm:s0], s1  }
0xe2: {  	s0 =	simm.s32 @!p0 $0x2  }
0xe3: {  	_ =	swait.ge @!p0 [sflag:s0], s1  }
0xe4: {  	s1 =	ssub.s32 @!p0 $0x0, s1;
	[sflag:s0] =	ssyncset.done @!p0 $0x0  }
0xe5: {  	[sflag:s0] =	ssyncadd.s32 @!p0 s1  }
0xe6: {  	[bflag:$0x3] =	sbarrier.arrive $0xFFFF  }
0xe7: {  	_ =	shalt  }

</sc_bundles>
